<compile_context>
chip_gen: v7x
topology: tpu7x:2x2x1
jax: 0.10.2.dev20260603
libtpu: 0.0.44.dev20260713+nightly
codegen_flags: <defaults>
</compile_context>

<pallas_src>
import jax
import jax.numpy as jnp
from jax import lax
from jax.experimental import pallas as pl
from jax.experimental.pallas import tpu as pltpu
from jax.experimental.pallas import tpu_sc as plsc

_D = 128
_B = 10
_NPG = 1000
_EPG = 32000
_N = _B * _NPG
_E = _B * _EPG

_TE = 4000
_NT = _E // _TE
_TPG = _EPG // _TE

_NC = 2
_NS = 16
_NW = _NC * _NS
_CHUNK = 400
_PERW = _E // _NW
_NPV = 1024

_EPS = 1e-5
_BF = jnp.bfloat16
_F32 = jnp.float32


def _softplus(x):
    return jnp.maximum(x, 0.0) + jnp.log(1.0 + jnp.exp(-jnp.abs(x)))


def _bdot(a, b):
    return jnp.dot(a.astype(_BF), b.astype(_BF), preferred_element_type=_F32)


def _sc_gather(node_feats, src, dst):
    mesh = plsc.VectorSubcoreMesh(core_axis_name="c", subcore_axis_name="s")

    @pl.kernel(
        out_type=jax.ShapeDtypeStruct((_E, 2 * _D), _F32),
        mesh=mesh,
        scratch_types=[
            pltpu.VMEM((_CHUNK,), jnp.int32),
            pltpu.VMEM((_CHUNK, _D), _F32),
            pltpu.VMEM((_CHUNK,), jnp.int32),
            pltpu.VMEM((_CHUNK, _D), _F32),
            pltpu.SemaphoreType.DMA,
            pltpu.SemaphoreType.DMA,
            pltpu.SemaphoreType.DMA,
            pltpu.SemaphoreType.DMA,
        ],
    )
    def k(nf_hbm, src_hbm, dst_hbm, xsd_hbm, idx_s, rows_s, idx_d, rows_d,
          sa, sb, wa, wb):
        wid = lax.axis_index("s") * _NC + lax.axis_index("c")
        base = wid * _PERW

        @pl.loop(0, _PERW // _CHUNK)
        def _(j):
            off = base + j * _CHUNK
            la = pltpu.async_copy(src_hbm.at[pl.ds(off, _CHUNK)], idx_s, sa)
            lb = pltpu.async_copy(dst_hbm.at[pl.ds(off, _CHUNK)], idx_d, sb)
            la.wait()
            lb.wait()

            @pl.when(j > 0)
            def _():
                pltpu.make_async_copy(
                    rows_s, xsd_hbm.at[pl.ds(off, _CHUNK), pl.ds(0, _D)], wa).wait()
                pltpu.make_async_copy(
                    rows_d, xsd_hbm.at[pl.ds(off, _CHUNK), pl.ds(_D, _D)], wb).wait()

            ga = pltpu.async_copy(nf_hbm.at[idx_s], rows_s, sa)
            gb = pltpu.async_copy(nf_hbm.at[idx_d], rows_d, sb)
            ga.wait()
            gb.wait()
            pltpu.async_copy(rows_s, xsd_hbm.at[pl.ds(off, _CHUNK), pl.ds(0, _D)], wa)
            pltpu.async_copy(rows_d, xsd_hbm.at[pl.ds(off, _CHUNK), pl.ds(_D, _D)], wb)

        pltpu.make_async_copy(
            rows_s, xsd_hbm.at[pl.ds(base, _CHUNK), pl.ds(0, _D)], wa).wait()
        pltpu.make_async_copy(
            rows_d, xsd_hbm.at[pl.ds(base, _CHUNK), pl.ds(_D, _D)], wb).wait()

    return k(node_feats, src, dst)


def _edge_stats_body(xsd, ef, g3, wsd, we, wg, b1, s1, s2):
    i = pl.program_id(0)
    grow = _bdot(g3[0], wg[...]) + b1[...]
    h = _bdot(xsd[...], wsd[...]) + (_bdot(ef[...], we[...]) + grow)

    @pl.when(i == 0)
    def _():
        s1[...] = jnp.zeros_like(s1)
        s2[...] = jnp.zeros_like(s2)

    s1[...] += jnp.sum(h, axis=0, keepdims=True)
    s2[...] += jnp.sum(h * h, axis=0, keepdims=True)


def _edge_main_body(xsd, ef, g3, wsd, we, wg, b1, k1c1, w2, b2,
                    h2o, s1, s2):
    i = pl.program_id(0)
    grow = _bdot(g3[0], wg[...]) + b1[...]
    h = _bdot(xsd[...], wsd[...]) + (_bdot(ef[...], we[...]) + grow)
    a = _softplus(h * k1c1[0:1, :] + k1c1[1:2, :])
    h2 = _bdot(a, w2[...]) + b2[...]
    h2o[...] = h2

    @pl.when(i == 0)
    def _():
        s1[...] = jnp.zeros_like(s1)
        s2[...] = jnp.zeros_like(s2)

    s1[...] += jnp.sum(h2, axis=0, keepdims=True)
    s2[...] += jnp.sum(h2 * h2, axis=0, keepdims=True)


def _edge_final_body(h2, dstl, k2c2, he, psum, pcnt):
    i = pl.program_id(0)
    hev = _softplus(h2[...] * k2c2[0:1, :] + k2c2[1:2, :])
    he[...] = hev

    col = dstl[0, 0, :].reshape(_TE, 1) - (i // _TPG) * _NPG
    oh = (col == lax.broadcasted_iota(jnp.int32, (_TE, _NPV), 1))

    @pl.when(i % _TPG == 0)
    def _():
        psum[...] = jnp.zeros_like(psum)
        pcnt[...] = jnp.zeros_like(pcnt)

    dn = (((0,), (0,)), ((), ()))
    part = lax.dot_general(oh.astype(_BF), hev.astype(_BF), dn,
                           preferred_element_type=_F32)
    psum[0] += part
    pcnt[0] += jnp.sum(oh.astype(_F32), axis=0, keepdims=True)


def _node_global_body(nf, ssum, cntb, gp,
                      wn1a, wn1b, wn1c, bn1, gn1, ben1,
                      wn2, bn2, gn2, ben2,
                      wg1a, wg1b, wg1c, bg1, gg1, beg1,
                      wg2, bg2, gg2, beg2,
                      hn_o, hg_o):
    cnt = jnp.maximum(cntb[...], 1.0)
    have = ssum[...] / cnt

    r = lax.broadcasted_iota(jnp.int32, (_N, 16), 0)
    c = lax.broadcasted_iota(jnp.int32, (_N, 16), 1)
    oh = (r // _NPG == c).astype(_BF)

    gtab = _bdot(gp[...], wn1c[...])
    h1 = _bdot(nf[...], wn1a[...]) + _bdot(have, wn1b[...]) \
        + _bdot(oh, gtab) + bn1[...]
    mu = jnp.mean(h1, axis=0, keepdims=True)
    var = jnp.mean(h1 * h1, axis=0, keepdims=True) - mu * mu
    a1 = _softplus(gn1[...] * (h1 - mu) * jax.lax.rsqrt(var + _EPS) + ben1[...])

    h2 = _bdot(a1, wn2[...]) + bn2[...]
    mu2 = jnp.mean(h2, axis=0, keepdims=True)
    var2 = jnp.mean(h2 * h2, axis=0, keepdims=True) - mu2 * mu2
    hn = _softplus(gn2[...] * (h2 - mu2) * jax.lax.rsqrt(var2 + _EPS) + ben2[...])
    hn_o[...] = hn

    dn = (((0,), (0,)), ((), ()))
    han = lax.dot_general(oh, hn.astype(_BF), dn,
                          preferred_element_type=_F32) * (1.0 / _NPG)
    hae = lax.dot_general(oh, have.astype(_BF), dn,
                          preferred_element_type=_F32) * (1.0 / _NPG)

    hg1 = _bdot(han, wg1a[...]) + _bdot(hae, wg1b[...]) \
        + _bdot(gp[...], wg1c[...]) + bg1[...]
    m = (lax.broadcasted_iota(jnp.int32, (16, 384), 0) < _B).astype(_F32)
    mug = jnp.sum(hg1 * m, axis=0, keepdims=True) / _B
    varg = jnp.sum((hg1 - mug) * (hg1 - mug) * m, axis=0, keepdims=True) / _B
    ag = _softplus(gg1[...] * (hg1 - mug) * jax.lax.rsqrt(varg + _EPS) + beg1[...])

    hg2 = _bdot(ag, wg2[...]) + bg2[...]
    m2 = (lax.broadcasted_iota(jnp.int32, (16, _D), 0) < _B).astype(_F32)
    mug2 = jnp.sum(hg2 * m2, axis=0, keepdims=True) / _B
    varg2 = jnp.sum((hg2 - mug2) * (hg2 - mug2) * m2, axis=0, keepdims=True) / _B
    hg_o[...] = _softplus(gg2[...] * (hg2 - mug2) * jax.lax.rsqrt(varg2 + _EPS)
                          + beg2[...])


def _row(x):
    return x.reshape(1, -1)


def kernel(node_feats, edge_feats, global_feats, params, src, dst, node_gid,
           batch_num_nodes, batch_num_edges):
    p = params
    w1t = p['e1_W'].T
    ws, wd, we, wg = w1t[0:128], w1t[128:256], w1t[256:384], w1t[384:512]
    b1 = _row(p['e1_b'])
    w2t = p['e2_W'].T
    b2 = _row(p['e2_b'])

    g3 = global_feats.reshape(_B, 1, _D)

    xsd = _sc_gather(node_feats, src, dst)
    wsd = jnp.concatenate([ws, wd], axis=0)

    espec = pl.BlockSpec((_TE, _D), lambda i: (i, 0))
    espec2 = pl.BlockSpec((_TE, 2 * _D), lambda i: (i, 0))
    gspec = pl.BlockSpec((1, 1, _D), lambda i: (i // _TPG, 0, 0))
    wspec = pl.BlockSpec((_D, 512), lambda i: (0, 0))
    rspec = lambda n: pl.BlockSpec((1, n), lambda i: (0, 0))

    s1, s2 = pl.pallas_call(
        _edge_stats_body,
        grid=(_NT,),
        in_specs=[espec2, espec, gspec, pl.BlockSpec((2 * _D, 512), lambda i: (0, 0)),
                  wspec, wspec, rspec(512)],
        out_specs=(rspec(512), rspec(512)),
        out_shape=(jax.ShapeDtypeStruct((1, 512), _F32),
                   jax.ShapeDtypeStruct((1, 512), _F32)),
    )(xsd, edge_feats, g3, wsd, we, wg, b1)

    mu = s1 / _E
    var = s2 / _E - mu * mu
    k1 = p['e1_g'] * jax.lax.rsqrt(var[0] + _EPS)
    c1 = p['e1_be'] - mu[0] * k1
    k1c1 = jnp.concatenate([_row(k1), _row(c1)], axis=0)

    h2, t1, t2 = pl.pallas_call(
        _edge_main_body,
        grid=(_NT,),
        in_specs=[espec2, espec, gspec, pl.BlockSpec((2 * _D, 512), lambda i: (0, 0)),
                  wspec, wspec, rspec(512), pl.BlockSpec((2, 512), lambda i: (0, 0)),
                  pl.BlockSpec((512, _D), lambda i: (0, 0)), rspec(_D)],
        out_specs=(espec, rspec(_D), rspec(_D)),
        out_shape=(jax.ShapeDtypeStruct((_E, _D), _F32),
                   jax.ShapeDtypeStruct((1, _D), _F32),
                   jax.ShapeDtypeStruct((1, _D), _F32)),
    )(xsd, edge_feats, g3, wsd, we, wg, b1, k1c1, w2t, b2)

    mu2 = t1 / _E
    var2 = t2 / _E - mu2 * mu2
    k2 = p['e2_g'] * jax.lax.rsqrt(var2[0] + _EPS)
    c2 = p['e2_be'] - mu2[0] * k2
    k2c2 = jnp.concatenate([_row(k2), _row(c2)], axis=0)

    dst3 = dst.reshape(_NT, 1, _TE)
    he, gsum, gcnt = pl.pallas_call(
        _edge_final_body,
        grid=(_NT,),
        in_specs=[espec, pl.BlockSpec((1, 1, _TE), lambda i: (i, 0, 0)),
                  pl.BlockSpec((2, _D), lambda i: (0, 0))],
        out_specs=(espec,
                   pl.BlockSpec((1, _NPV, _D), lambda i: (i // _TPG, 0, 0)),
                   pl.BlockSpec((1, 1, _NPV), lambda i: (i // _TPG, 0, 0))),
        out_shape=(jax.ShapeDtypeStruct((_E, _D), _F32),
                   jax.ShapeDtypeStruct((_B, _NPV, _D), _F32),
                   jax.ShapeDtypeStruct((_B, 1, _NPV), _F32)),
    )(h2, dst3, k2c2)

    psums = gsum[:, :_NPG].reshape(_N, _D)
    cnt = gcnt[:, 0, :_NPG].reshape(_N)
    cntb = jnp.broadcast_to(cnt[:, None], (_N, _D))

    gp = jnp.zeros((16, _D), _F32).at[0:_B].set(global_feats)
    wn1t = p['n1_W'].T
    wg1t = p['g1_W'].T
    full = lambda shape: pl.BlockSpec(shape, lambda: tuple(0 for _ in shape))
    args = (node_feats, psums, cntb, gp,
            wn1t[0:128], wn1t[128:256], wn1t[256:384],
            _row(p['n1_b']), _row(p['n1_g']), _row(p['n1_be']),
            p['n2_W'].T, _row(p['n2_b']), _row(p['n2_g']), _row(p['n2_be']),
            wg1t[0:128], wg1t[128:256], wg1t[256:384],
            _row(p['g1_b']), _row(p['g1_g']), _row(p['g1_be']),
            p['g2_W'].T, _row(p['g2_b']), _row(p['g2_g']), _row(p['g2_be']))
    hn, hgp = pl.pallas_call(
        _node_global_body,
        in_specs=[full(a.shape) for a in args],
        out_specs=(full((_N, _D)), full((16, _D))),
        out_shape=(jax.ShapeDtypeStruct((_N, _D), _F32),
                   jax.ShapeDtypeStruct((16, _D), _F32)),
    )(*args)

    return hn, he, hgp[0:_B]

# --- scband reference (transcript-rebuilt; emitter-appended) ---
"""Pipeline reference for scband-conv-func-mgenet-13194139533627 (READ-ONLY COPY).

The authoritative reference and input builder live on the scoring server;
editing this copy changes nothing except your own understanding.
"""

import jax, jax.numpy as jnp
import numpy as np

D = 128
B = 10
NP = 1000
EP = 32000
N = B * NP
E = B * EP


def _mlp(x, W, b, gamma, beta):
    # Linear -> BatchNorm1d (training-mode batch stats, eps=1e-5) -> Softplus (dropout p=0 is identity)
    h = x @ W.T + b
    mu = jnp.mean(h, axis=0)
    var = jnp.var(h, axis=0)
    h = (h - mu) / jnp.sqrt(var + 1e-5)
    return jax.nn.softplus(gamma * h + beta)


def _forward(node_feats, edge_feats, global_feats, params, src, dst, node_gid, batch_num_nodes, batch_num_edges):
    p = params
    # edge update: cat([h_src, h_dst, h_edge, global_per_edge])
    ge = jnp.repeat(global_feats, batch_num_edges, axis=0, total_repeat_length=E)
    h_cat_edge = jnp.concatenate([node_feats[src], node_feats[dst], edge_feats, ge], axis=-1)
    he = _mlp(h_cat_edge, p['e1_W'], p['e1_b'], p['e1_g'], p['e1_be'])
    he = _mlp(he, p['e2_W'], p['e2_b'], p['e2_g'], p['e2_be'])
    # update_all(copy_e, mean) -> mean of incoming edge features per dst node (0 if no in-edges)
    cnt = jax.ops.segment_sum(jnp.ones((E,), jnp.float32), dst, num_segments=N)
    h_ave_he = jax.ops.segment_sum(he, dst, num_segments=N) / jnp.maximum(cnt, 1.0)[:, None]
    # node update: cat([h, h_ave_he, global_per_node])
    gn = jnp.repeat(global_feats, batch_num_nodes, axis=0, total_repeat_length=N)
    h_cat_node = jnp.concatenate([node_feats, h_ave_he, gn], axis=-1)
    hn = _mlp(h_cat_node, p['n1_W'], p['n1_b'], p['n1_g'], p['n1_be'])
    hn = _mlp(hn, p['n2_W'], p['n2_b'], p['n2_g'], p['n2_be'])
    # global update: avg-pool node h_update and h_ave_he per graph, cat with global
    inv_n = 1.0 / batch_num_nodes.astype(jnp.float32)
    h_aver_node = jax.ops.segment_sum(hn, node_gid, num_segments=B) * inv_n[:, None]
    h_aver_edge = jax.ops.segment_sum(h_ave_he, node_gid, num_segments=B) * inv_n[:, None]
    h_cat_glob = jnp.concatenate([h_aver_node, h_aver_edge, global_feats], axis=-1)
    hg = _mlp(h_cat_glob, p['g1_W'], p['g1_b'], p['g1_g'], p['g1_be'])
    hg = _mlp(hg, p['g2_W'], p['g2_b'], p['g2_g'], p['g2_be'])
    return hn, he, hg


def setup_inputs(seed: int = 0):
    key = jax.random.key(seed)
    ks = jax.random.split(key, 16)
    node_feats = jax.random.normal(ks[0], (N, D), dtype=jnp.float32)
    edge_feats = jax.random.normal(ks[1], (E, D), dtype=jnp.float32)
    global_feats = jax.random.normal(ks[2], (B, D), dtype=jnp.float32)
    # edges constrained within each graph block (batched-graph semantics)
    offs = jnp.repeat(jnp.arange(B, dtype=jnp.int32) * NP, EP)
    src = jax.random.randint(ks[3], (E,), 0, NP, dtype=jnp.int32) + offs
    dst = jax.random.randint(ks[4], (E,), 0, NP, dtype=jnp.int32) + offs
    node_gid = jnp.repeat(jnp.arange(B, dtype=jnp.int32), NP)
    batch_num_nodes = jnp.full((B,), NP, dtype=jnp.int32)
    batch_num_edges = jnp.full((B,), EP, dtype=jnp.int32)
    dims = {'e1': (4 * D, 4 * D), 'e2': (D, 4 * D), 'n1': (3 * D, 3 * D), 'n2': (D, 3 * D), 'g1': (3 * D, 3 * D), 'g2': (D, 3 * D)}
    params = {}
    i = 5
    for name, (out_f, in_f) in dims.items():
        params[name + '_W'] = jax.random.normal(ks[i], (out_f, in_f), dtype=jnp.float32) / np.sqrt(in_f)
        params[name + '_b'] = jnp.zeros((out_f,), jnp.float32)
        params[name + '_g'] = jnp.ones((out_f,), jnp.float32)
        params[name + '_be'] = jnp.zeros((out_f,), jnp.float32)
        i += 1
    return {'node_feats': node_feats, 'edge_feats': edge_feats, 'global_feats': global_feats, 'params': params, 'src': src, 'dst': dst, 'node_gid': node_gid, 'batch_num_nodes': batch_num_nodes, 'batch_num_edges': batch_num_edges}


def reference(node_feats, edge_feats, global_feats, params, src, dst, node_gid, batch_num_nodes, batch_num_edges):
    return _forward(node_feats, edge_feats, global_feats, params, src, dst, node_gid, batch_num_nodes, batch_num_edges)

if __name__ == "__main__":
    import jax
    _d = setup_inputs()
    print(jax.jit(kernel)(*tuple(_d.values())))

</pallas_src>

<mosaic_0001>
#map = affine_map<(d0, d1) -> (0, 0)>
#map1 = affine_map<(d0, d1) -> (0)>
module attributes {stable_mosaic.version = 14 : i64} {
  func.func @k(%arg0: i32, %arg1: i32, %arg2: memref<10000x128xf32, #tpu.memory_space<hbm>>, %arg3: memref<320000xi32, #tpu.memory_space<hbm>>, %arg4: memref<320000xi32, #tpu.memory_space<hbm>>, %arg5: memref<320000x256xf32, #tpu.memory_space<hbm>>, %arg6: memref<400xi32, #tpu.memory_space<vmem>>, %arg7: memref<400x128xf32, #tpu.memory_space<vmem>>, %arg8: memref<400xi32, #tpu.memory_space<vmem>>, %arg9: memref<400x128xf32, #tpu.memory_space<vmem>>, %arg10: memref<!tpu.dma_semaphore, #tpu.memory_space<semaphore_mem>>, %arg11: memref<!tpu.dma_semaphore, #tpu.memory_space<semaphore_mem>>, %arg12: memref<!tpu.dma_semaphore, #tpu.memory_space<semaphore_mem>>, %arg13: memref<!tpu.dma_semaphore, #tpu.memory_space<semaphore_mem>>) attributes {dimension_semantics = [#tpu.dimension_semantics<core_parallel>, #tpu.dimension_semantics<subcore_parallel>], iteration_bounds = array<i64: 2, 16>, scalar_prefetch = 0 : i64, scratch_operands = 8 : i64, tpu.core_type = #tpu.core_type<sc_vector_subcore>, window_params = [{transform_indices = #map}, {transform_indices = #map1}, {transform_indices = #map1}, {transform_indices = #map}]} {
    %mul3A = arith.constant 2 : i32
    %mul3A_0 = arith.muli %arg1, %mul3A : i32
    %add3A = arith.addi %mul3A_0, %arg0 : i32
    %mul3A_1 = arith.constant 10000 : i32
    %mul3A_2 = arith.muli %add3A, %mul3A_1 : i32
    %scan3A = arith.constant 0 : i32
    %scan3A_3 = arith.constant 25 : i32
    %scan3A_4 = arith.addi %scan3A, %scan3A_3 : i32
    %scan3A_5 = arith.constant 1 : i32
    scf.for %scan3A_14 = %scan3A to %scan3A_4 step %scan3A_5  : i32 {
      %mul3A_15 = arith.constant 1 : i32
      %mul3A_16 = arith.muli %scan3A_14, %mul3A_15 : i32
      %add3A_17 = arith.constant 0 : i32
      %add3A_18 = arith.addi %add3A_17, %mul3A_16 : i32
      %mul3A_19 = arith.constant 400 : i32
      %mul3A_20 = arith.muli %add3A_18, %mul3A_19 : i32
      %add3A_21 = arith.addi %mul3A_2, %mul3A_20 : i32
      %dma_start3A = tpu.memref_slice %arg3[%add3A_21] : memref<320000xi32, #tpu.memory_space<hbm>> -> memref<400xi32, #tpu.memory_space<hbm>>
      %dma_start3A_22 = tpu.memref_slice %arg3[%add3A_21] : memref<320000xi32, #tpu.memory_space<hbm>> -> memref<400xi32, #tpu.memory_space<hbm>>
      tpu.enqueue_dma source(%dma_start3A_22 : memref<400xi32, #tpu.memory_space<hbm>>) target(%arg6 : memref<400xi32, #tpu.memory_space<vmem>>) target_semaphore(%arg10 : memref<!tpu.dma_semaphore, #tpu.memory_space<semaphore_mem>>)
      %dma_start3A_23 = tpu.memref_slice %arg4[%add3A_21] : memref<320000xi32, #tpu.memory_space<hbm>> -> memref<400xi32, #tpu.memory_space<hbm>>
      %dma_start3A_24 = tpu.memref_slice %arg4[%add3A_21] : memref<320000xi32, #tpu.memory_space<hbm>> -> memref<400xi32, #tpu.memory_space<hbm>>
      tpu.enqueue_dma source(%dma_start3A_24 : memref<400xi32, #tpu.memory_space<hbm>>) target(%arg8 : memref<400xi32, #tpu.memory_space<vmem>>) target_semaphore(%arg11 : memref<!tpu.dma_semaphore, #tpu.memory_space<semaphore_mem>>)
      %dma_wait3A_25 = tpu.memref_slice %arg3[%add3A_21] : memref<320000xi32, #tpu.memory_space<hbm>> -> memref<400xi32, #tpu.memory_space<hbm>>
      %dma_wait3A_26 = tpu.memref_slice %arg3[%add3A_21] : memref<320000xi32, #tpu.memory_space<hbm>> -> memref<400xi32, #tpu.memory_space<hbm>>
      tpu.wait_dma2 semaphore(%arg10 : memref<!tpu.dma_semaphore, #tpu.memory_space<semaphore_mem>>) src(%dma_wait3A_26 : memref<400xi32, #tpu.memory_space<hbm>>) dst(%arg6 : memref<400xi32, #tpu.memory_space<vmem>>)
      %dma_wait3A_27 = tpu.memref_slice %arg4[%add3A_21] : memref<320000xi32, #tpu.memory_space<hbm>> -> memref<400xi32, #tpu.memory_space<hbm>>
      %dma_wait3A_28 = tpu.memref_slice %arg4[%add3A_21] : memref<320000xi32, #tpu.memory_space<hbm>> -> memref<400xi32, #tpu.memory_space<hbm>>
      tpu.wait_dma2 semaphore(%arg11 : memref<!tpu.dma_semaphore, #tpu.memory_space<semaphore_mem>>) src(%dma_wait3A_28 : memref<400xi32, #tpu.memory_space<hbm>>) dst(%arg8 : memref<400xi32, #tpu.memory_space<vmem>>)
      %gt3A = arith.constant 0 : i32
      %gt3A_29 = arith.cmpi sgt, %add3A_18, %gt3A : i32
      %convert_element_type3A = arith.extui %gt3A_29 : i1 to i32
      %cond3A = arith.constant 0 : i32
      %cond3A_30 = arith.cmpi ne, %convert_element_type3A, %cond3A : i32
      scf.if %cond3A_30 {
        %dma_wait3A_51 = arith.constant 0 : i32
        %dma_wait3A_52 = tpu.memref_slice %arg5[%add3A_21, %dma_wait3A_51] : memref<320000x256xf32, #tpu.memory_space<hbm>> -> memref<400x128xf32, #tpu.memory_space<hbm>>
        %dma_wait3A_53 = arith.constant 0 : i32
        %dma_wait3A_54 = tpu.memref_slice %arg5[%add3A_21, %dma_wait3A_53] : memref<320000x256xf32, #tpu.memory_space<hbm>> -> memref<400x128xf32, #tpu.memory_space<hbm>>
        tpu.wait_dma2 semaphore(%arg12 : memref<!tpu.dma_semaphore, #tpu.memory_space<semaphore_mem>>) src(%arg7 : memref<400x128xf32, #tpu.memory_space<vmem>>) dst(%dma_wait3A_54 : memref<400x128xf32, #tpu.memory_space<hbm>>)
        %dma_wait3A_55 = arith.constant 128 : i32
        %dma_wait3A_56 = tpu.memref_slice %arg5[%add3A_21, %dma_wait3A_55] : memref<320000x256xf32, #tpu.memory_space<hbm>> -> memref<400x128xf32, #tpu.memory_space<hbm>>
        %dma_wait3A_57 = arith.constant 128 : i32
        %dma_wait3A_58 = tpu.memref_slice %arg5[%add3A_21, %dma_wait3A_57] : memref<320000x256xf32, #tpu.memory_space<hbm>> -> memref<400x128xf32, #tpu.memory_space<hbm>>
        tpu.wait_dma2 semaphore(%arg13 : memref<!tpu.dma_semaphore, #tpu.memory_space<semaphore_mem>>) src(%arg9 : memref<400x128xf32, #tpu.memory_space<vmem>>) dst(%dma_wait3A_58 : memref<400x128xf32, #tpu.memory_space<hbm>>)
      } else {
      }
      %dma_start3A_31 = arith.constant 0 : i32
      %dma_start3A_32 = arith.constant 0 : i32
      %dma_start3A_33 = tpu.memref_slice %arg2[%dma_start3A_31, %dma_start3A_32] : memref<10000x128xf32, #tpu.memory_space<hbm>> -> memref<10000x128xf32, #tpu.memory_space<hbm>>
      tpu.enqueue_indirect_dma source(%dma_start3A_33 : memref<10000x128xf32, #tpu.memory_space<hbm>>) target(%arg7 : memref<400x128xf32, #tpu.memory_space<vmem>>) offsets(%arg6 : memref<400xi32, #tpu.memory_space<vmem>>) semaphore(%arg10 : memref<!tpu.dma_semaphore, #tpu.memory_space<semaphore_mem>>)
      %dma_start3A_34 = arith.constant 0 : i32
      %dma_start3A_35 = arith.constant 0 : i32
      %dma_start3A_36 = tpu.memref_slice %arg2[%dma_start3A_34, %dma_start3A_35] : memref<10000x128xf32, #tpu.memory_space<hbm>> -> memref<10000x128xf32, #tpu.memory_space<hbm>>
      tpu.enqueue_indirect_dma source(%dma_start3A_36 : memref<10000x128xf32, #tpu.memory_space<hbm>>) target(%arg9 : memref<400x128xf32, #tpu.memory_space<vmem>>) offsets(%arg8 : memref<400xi32, #tpu.memory_space<vmem>>) semaphore(%arg11 : memref<!tpu.dma_semaphore, #tpu.memory_space<semaphore_mem>>)
      %dma_wait3A_37 = arith.constant 0 : i32
      %dma_wait3A_38 = arith.constant 0 : i32
      %dma_wait3A_39 = tpu.memref_slice %arg2[%dma_wait3A_37, %dma_wait3A_38] : memref<10000x128xf32, #tpu.memory_space<hbm>> -> memref<10000x128xf32, #tpu.memory_space<hbm>>
      tpu.wait_indirect_dma semaphore(%arg10 : memref<!tpu.dma_semaphore, #tpu.memory_space<semaphore_mem>>) src(%dma_wait3A_39 : memref<10000x128xf32, #tpu.memory_space<hbm>>) dst(%arg7 : memref<400x128xf32, #tpu.memory_space<vmem>>)
      %dma_wait3A_40 = arith.constant 0 : i32
      %dma_wait3A_41 = arith.constant 0 : i32
      %dma_wait3A_42 = tpu.memref_slice %arg2[%dma_wait3A_40, %dma_wait3A_41] : memref<10000x128xf32, #tpu.memory_space<hbm>> -> memref<10000x128xf32, #tpu.memory_space<hbm>>
      tpu.wait_indirect_dma semaphore(%arg11 : memref<!tpu.dma_semaphore, #tpu.memory_space<semaphore_mem>>) src(%dma_wait3A_42 : memref<10000x128xf32, #tpu.memory_space<hbm>>) dst(%arg9 : memref<400x128xf32, #tpu.memory_space<vmem>>)
      %dma_start3A_43 = arith.constant 0 : i32
      %dma_start3A_44 = tpu.memref_slice %arg5[%add3A_21, %dma_start3A_43] : memref<320000x256xf32, #tpu.memory_space<hbm>> -> memref<400x128xf32, #tpu.memory_space<hbm>>
      %dma_start3A_45 = arith.constant 0 : i32
      %dma_start3A_46 = tpu.memref_slice %arg5[%add3A_21, %dma_start3A_45] : memref<320000x256xf32, #tpu.memory_space<hbm>> -> memref<400x128xf32, #tpu.memory_space<hbm>>
      tpu.enqueue_dma source(%arg7 : memref<400x128xf32, #tpu.memory_space<vmem>>) target(%dma_start3A_46 : memref<400x128xf32, #tpu.memory_space<hbm>>) target_semaphore(%arg12 : memref<!tpu.dma_semaphore, #tpu.memory_space<semaphore_mem>>)
      %dma_start3A_47 = arith.constant 128 : i32
      %dma_start3A_48 = tpu.memref_slice %arg5[%add3A_21, %dma_start3A_47] : memref<320000x256xf32, #tpu.memory_space<hbm>> -> memref<400x128xf32, #tpu.memory_space<hbm>>
      %dma_start3A_49 = arith.constant 128 : i32
      %dma_start3A_50 = tpu.memref_slice %arg5[%add3A_21, %dma_start3A_49] : memref<320000x256xf32, #tpu.memory_space<hbm>> -> memref<400x128xf32, #tpu.memory_space<hbm>>
      tpu.enqueue_dma source(%arg9 : memref<400x128xf32, #tpu.memory_space<vmem>>) target(%dma_start3A_50 : memref<400x128xf32, #tpu.memory_space<hbm>>) target_semaphore(%arg13 : memref<!tpu.dma_semaphore, #tpu.memory_space<semaphore_mem>>)
    }
    %scan3A_6 = arith.constant 25 : i32
    %dma_wait3A = arith.constant 0 : i32
    %dma_wait3A_7 = tpu.memref_slice %arg5[%mul3A_2, %dma_wait3A] : memref<320000x256xf32, #tpu.memory_space<hbm>> -> memref<400x128xf32, #tpu.memory_space<hbm>>
    %dma_wait3A_8 = arith.constant 0 : i32
    %dma_wait3A_9 = tpu.memref_slice %arg5[%mul3A_2, %dma_wait3A_8] : memref<320000x256xf32, #tpu.memory_space<hbm>> -> memref<400x128xf32, #tpu.memory_space<hbm>>
    tpu.wait_dma2 semaphore(%arg12 : memref<!tpu.dma_semaphore, #tpu.memory_space<semaphore_mem>>) src(%arg7 : memref<400x128xf32, #tpu.memory_space<vmem>>) dst(%dma_wait3A_9 : memref<400x128xf32, #tpu.memory_space<hbm>>)
    %dma_wait3A_10 = arith.constant 128 : i32
    %dma_wait3A_11 = tpu.memref_slice %arg5[%mul3A_2, %dma_wait3A_10] : memref<320000x256xf32, #tpu.memory_space<hbm>> -> memref<400x128xf32, #tpu.memory_space<hbm>>
    %dma_wait3A_12 = arith.constant 128 : i32
    %dma_wait3A_13 = tpu.memref_slice %arg5[%mul3A_2, %dma_wait3A_12] : memref<320000x256xf32, #tpu.memory_space<hbm>> -> memref<400x128xf32, #tpu.memory_space<hbm>>
    tpu.wait_dma2 semaphore(%arg13 : memref<!tpu.dma_semaphore, #tpu.memory_space<semaphore_mem>>) src(%arg9 : memref<400x128xf32, #tpu.memory_space<vmem>>) dst(%dma_wait3A_13 : memref<400x128xf32, #tpu.memory_space<hbm>>)
    return
  }
}

module attributes {stable_mosaic.version = 14 : i64} {
  func.func @_edge_main_body(%arg0: i32, %arg1: memref<4000x256xf32, #tpu.memory_space<vmem>>, %arg2: memref<4000x128xf32, #tpu.memory_space<vmem>>, %arg3: memref<1x1x128xf32, #tpu.memory_space<vmem>>, %arg4: memref<256x512xf32, #tpu.memory_space<vmem>>, %arg5: memref<128x512xf32, #tpu.memory_space<vmem>>, %arg6: memref<128x512xf32, #tpu.memory_space<vmem>>, %arg7: memref<1x512xf32, #tpu.memory_space<vmem>>, %arg8: memref<2x512xf32, #tpu.memory_space<vmem>>, %arg9: memref<512x128xf32, #tpu.memory_space<vmem>>, %arg10: memref<1x128xf32, #tpu.memory_space<vmem>>, %arg11: memref<4000x128xf32, #tpu.memory_space<vmem>>, %arg12: memref<1x128xf32, #tpu.memory_space<vmem>>, %arg13: memref<1x128xf32, #tpu.memory_space<vmem>>) attributes {dimension_semantics = [#tpu.dimension_semantics<arbitrary>], iteration_bounds = array<i64: 80>, scalar_prefetch = 0 : i64, scratch_operands = 0 : i64, tpu.core_type = #tpu.core_type<tc>, window_params = [{transform_indices = @transform_0, window_bounds = array<i64: 4000, 256>}, {transform_indices = @transform_1, window_bounds = array<i64: 4000, 128>}, {transform_indices = @transform_2, window_bounds = array<i64: 1, 1, 128>}, {pipeline_mode = #tpu.pipeline_mode<synchronous>, transform_indices = @transform_3, window_bounds = array<i64: 256, 512>}, {pipeline_mode = #tpu.pipeline_mode<synchronous>, transform_indices = @transform_4, window_bounds = array<i64: 128, 512>}, {pipeline_mode = #tpu.pipeline_mode<synchronous>, transform_indices = @transform_5, window_bounds = array<i64: 128, 512>}, {pipeline_mode = #tpu.pipeline_mode<synchronous>, transform_indices = @transform_6, window_bounds = array<i64: 1, 512>}, {pipeline_mode = #tpu.pipeline_mode<synchronous>, transform_indices = @transform_7, window_bounds = array<i64: 2, 512>}, {pipeline_mode = #tpu.pipeline_mode<synchronous>, transform_indices = @transform_8, window_bounds = array<i64: 512, 128>}, {pipeline_mode = #tpu.pipeline_mode<synchronous>, transform_indices = @transform_9, window_bounds = array<i64: 1, 128>}, {transform_indices = @transform_10, window_bounds = array<i64: 4000, 128>}, {pipeline_mode = #tpu.pipeline_mode<synchronous>, transform_indices = @transform_11, window_bounds = array<i64: 1, 128>}, {pipeline_mode = #tpu.pipeline_mode<synchronous>, transform_indices = @transform_12, window_bounds = array<i64: 1, 128>}]} {
    %get3A = arith.constant 0 : index
    %get3A_0 = arith.constant 0 : index
    %get3A_1 = arith.constant 0 : index
    %get3A_2 = vector.load %arg3[%get3A, %get3A_0, %get3A_1] : memref<1x1x128xf32, #tpu.memory_space<vmem>>, vector<1x1x128xf32>
    %get3A_3 = vector.shape_cast %get3A_2 : vector<1x1x128xf32> to vector<1x128xf32>
    %get3A_4 = arith.constant 0 : index
    %get3A_5 = arith.constant 0 : index
    %get3A_6 = vector.load %arg6[%get3A_4, %get3A_5] : memref<128x512xf32, #tpu.memory_space<vmem>>, vector<128x512xf32>
    %convert_element_type3A = arith.truncf %get3A_3 : vector<1x128xf32> to vector<1x128xbf16>
    %convert_element_type3A_7 = arith.truncf %get3A_6 : vector<128x512xf32> to vector<128x512xbf16>
    %dot_general3A = arith.constant dense<0.000000e+00> : vector<1x512xf32>
    %dot_general3A_8 = tpu.matmul %convert_element_type3A, %convert_element_type3A_7, %dot_general3A {dimension_numbers = #tpu.dot_dimension_numbers<[1], [0], [0], [1], [0, 0, 1, 1], [], []>, transpose_lhs_hint = false} : vector<1x128xbf16>, vector<128x512xbf16>, vector<1x512xf32> -> vector<1x512xf32>
    %get3A_9 = arith.constant 0 : index
    %get3A_10 = arith.constant 0 : index
    %get3A_11 = vector.load %arg7[%get3A_9, %get3A_10] : memref<1x512xf32, #tpu.memory_space<vmem>>, vector<1x512xf32>
    %add3A = arith.addf %dot_general3A_8, %get3A_11 : vector<1x512xf32>
    %get3A_12 = arith.constant 0 : index
    %get3A_13 = arith.constant 0 : index
    %get3A_14 = vector.load %arg1[%get3A_12, %get3A_13] : memref<4000x256xf32, #tpu.memory_space<vmem>>, vector<4000x256xf32>
    %get3A_15 = arith.constant 0 : index
    %get3A_16 = arith.constant 0 : index
    %get3A_17 = vector.load %arg4[%get3A_15, %get3A_16] : memref<256x512xf32, #tpu.memory_space<vmem>>, vector<256x512xf32>
    %convert_element_type3A_18 = arith.truncf %get3A_14 : vector<4000x256xf32> to vector<4000x256xbf16>
    %convert_element_type3A_19 = arith.truncf %get3A_17 : vector<256x512xf32> to vector<256x512xbf16>
    %dot_general3A_20 = arith.constant dense<0.000000e+00> : vector<4000x512xf32>
    %dot_general3A_21 = tpu.matmul %convert_element_type3A_18, %convert_element_type3A_19, %dot_general3A_20 {dimension_numbers = #tpu.dot_dimension_numbers<[1], [0], [0], [1], [0, 0, 1, 1], [], []>, transpose_lhs_hint = false} : vector<4000x256xbf16>, vector<256x512xbf16>, vector<4000x512xf32> -> vector<4000x512xf32>
    %get3A_22 = arith.constant 0 : index
    %get3A_23 = arith.constant 0 : index
    %get3A_24 = vector.load %arg2[%get3A_22, %get3A_23] : memref<4000x128xf32, #tpu.memory_space<vmem>>, vector<4000x128xf32>
    %get3A_25 = arith.constant 0 : index
    %get3A_26 = arith.constant 0 : index
    %get3A_27 = vector.load %arg5[%get3A_25, %get3A_26] : memref<128x512xf32, #tpu.memory_space<vmem>>, vector<128x512xf32>
    %convert_element_type3A_28 = arith.truncf %get3A_24 : vector<4000x128xf32> to vector<4000x128xbf16>
    %convert_element_type3A_29 = arith.truncf %get3A_27 : vector<128x512xf32> to vector<128x512xbf16>
    %dot_general3A_30 = arith.constant dense<0.000000e+00> : vector<4000x512xf32>
    %dot_general3A_31 = tpu.matmul %convert_element_type3A_28, %convert_element_type3A_29, %dot_general3A_30 {dimension_numbers = #tpu.dot_dimension_numbers<[1], [0], [0], [1], [0, 0, 1, 1], [], []>, transpose_lhs_hint = false} : vector<4000x128xbf16>, vector<128x512xbf16>, vector<4000x512xf32> -> vector<4000x512xf32>
    %add3A_32 = vector.broadcast %add3A : vector<1x512xf32> to vector<4000x512xf32>
    %add3A_33 = arith.addf %dot_general3A_31, %add3A_32 : vector<4000x512xf32>
    %add3A_34 = arith.addf %dot_general3A_21, %add3A_33 : vector<4000x512xf32>
    %get3A_35 = arith.constant 0 : index
    %get3A_36 = arith.constant 0 : index
    %get3A_37 = vector.load %arg8[%get3A_35, %get3A_36] : memref<2x512xf32, #tpu.memory_space<vmem>>, vector<1x512xf32>
    %mul3A = vector.broadcast %get3A_37 : vector<1x512xf32> to vector<4000x512xf32>
    %mul3A_38 = arith.mulf %add3A_34, %mul3A : vector<4000x512xf32>
    %get3A_39 = arith.constant 1 : index
    %get3A_40 = arith.constant 0 : index
    %get3A_41 = vector.load %arg8[%get3A_39, %get3A_40] : memref<2x512xf32, #tpu.memory_space<vmem>>, vector<1x512xf32>
    %add3A_42 = vector.broadcast %get3A_41 : vector<1x512xf32> to vector<4000x512xf32>
    %add3A_43 = arith.addf %mul3A_38, %add3A_42 : vector<4000x512xf32>
    %max3A = arith.constant 0.000000e+00 : f32
    %max3A_44 = vector.broadcast %max3A : f32 to vector<4000x512xf32>
    %max3A_45 = arith.maximumf %add3A_43, %max3A_44 : vector<4000x512xf32>
    %abs3A = math.absf %add3A_43 : vector<4000x512xf32>
    %neg3A = arith.constant 0.000000e+00 : f32
    %neg3A_46 = vector.broadcast %neg3A : f32 to vector<4000x512xf32>
    %neg3A_47 = arith.subf %neg3A_46, %abs3A : vector<4000x512xf32>
    %exp3A = math.exp %neg3A_47 : vector<4000x512xf32>
    %add3A_48 = arith.constant 1.000000e+00 : f32
    %add3A_49 = vector.broadcast %add3A_48 : f32 to vector<4000x512xf32>
    %add3A_50 = arith.addf %add3A_49, %exp3A : vector<4000x512xf32>
    %log3A = math.log %add3A_50 : vector<4000x512xf32>
    %add3A_51 = arith.addf %max3A_45, %log3A : vector<4000x512xf32>
    %get3A_52 = arith.constant 0 : index
    %get3A_53 = arith.constant 0 : index
    %get3A_54 = vector.load %arg9[%get3A_52, %get3A_53] : memref<512x128xf32, #tpu.memory_space<vmem>>, vector<512x128xf32>
    %convert_element_type3A_55 = arith.truncf %add3A_51 : vector<4000x512xf32> to vector<4000x512xbf16>
    %convert_element_type3A_56 = arith.truncf %get3A_54 : vector<512x128xf32> to vector<512x128xbf16>
    %dot_general3A_57 = arith.constant dense<0.000000e+00> : vector<4000x128xf32>
    %dot_general3A_58 = tpu.matmul %convert_element_type3A_55, %convert_element_type3A_56, %dot_general3A_57 {dimension_numbers = #tpu.dot_dimension_numbers<[1], [0], [0], [1], [0, 0, 1, 1], [], []>, transpose_lhs_hint = false} : vector<4000x512xbf16>, vector<512x128xbf16>, vector<4000x128xf32> -> vector<4000x128xf32>
    %get3A_59 = arith.constant 0 : index
    %get3A_60 = arith.constant 0 : index
    %get3A_61 = vector.load %arg10[%get3A_59, %get3A_60] : memref<1x128xf32, #tpu.memory_space<vmem>>, vector<1x128xf32>
    %add3A_62 = vector.broadcast %get3A_61 : vector<1x128xf32> to vector<4000x128xf32>
    %add3A_63 = arith.addf %dot_general3A_58, %add3A_62 : vector<4000x128xf32>
    %swap3A = arith.constant 0 : index
    %swap3A_64 = arith.constant 0 : index
    %swap3A_65 = vector.load %arg11[%swap3A, %swap3A_64] : memref<4000x128xf32, #tpu.memory_space<vmem>>, vector<4000x128xf32>
    tpu.vector_store %arg11[%swap3A, %swap3A_64], %add3A_63 {strides = array<i32>} : memref<4000x128xf32, #tpu.memory_space<vmem>>, vector<4000x128xf32>,
    %eq3A = arith.constant 0 : i32
    %eq3A_66 = arith.cmpi eq, %arg0, %eq3A : i32
    %convert_element_type3A_67 = arith.extui %eq3A_66 : i1 to i32
    %cond3A = arith.constant 0 : i32
    %cond3A_68 = arith.cmpi ne, %convert_element_type3A_67, %cond3A : i32
    scf.if %cond3A_68 {
      %broadcast_in_dim3A_88 = arith.constant 0.000000e+00 : f32
      %broadcast_in_dim3A_89 = vector.broadcast %broadcast_in_dim3A_88 : f32 to vector<1x128xf32>
      %swap3A_90 = arith.constant 0 : index
      %swap3A_91 = arith.constant 0 : index
      %swap3A_92 = vector.load %arg12[%swap3A_90, %swap3A_91] : memref<1x128xf32, #tpu.memory_space<vmem>>, vector<1x128xf32>
      tpu.vector_store %arg12[%swap3A_90, %swap3A_91], %broadcast_in_dim3A_89 {strides = array<i32>} : memref<1x128xf32, #tpu.memory_space<vmem>>, vector<1x128xf32>,
      %broadcast_in_dim3A_93 = arith.constant 0.000000e+00 : f32
      %broadcast_in_dim3A_94 = vector.broadcast %broadcast_in_dim3A_93 : f32 to vector<1x128xf32>
      %swap3A_95 = arith.constant 0 : index
      %swap3A_96 = arith.constant 0 : index
      %swap3A_97 = vector.load %arg13[%swap3A_95, %swap3A_96] : memref<1x128xf32, #tpu.memory_space<vmem>>, vector<1x128xf32>
      tpu.vector_store %arg13[%swap3A_95, %swap3A_96], %broadcast_in_dim3A_94 {strides = array<i32>} : memref<1x128xf32, #tpu.memory_space<vmem>>, vector<1x128xf32>,
    } else {
    }
    %get3A_69 = arith.constant 0 : index
    %get3A_70 = arith.constant 0 : index
    %get3A_71 = vector.load %arg12[%get3A_69, %get3A_70] : memref<1x128xf32, #tpu.memory_space<vmem>>, vector<1x128xf32>
    %reduce_sum3A = arith.constant dense<0.000000e+00> : vector<128xf32>
    %reduce_sum3A_72 = vector.multi_reduction <add>, %add3A_63, %reduce_sum3A [0] : vector<4000x128xf32> to vector<128xf32>
    %broadcast_in_dim3A = vector.shape_cast %reduce_sum3A_72 : vector<128xf32> to vector<1x128xf32>
    %add3A_73 = arith.addf %get3A_71, %broadcast_in_dim3A : vector<1x128xf32>
    %swap3A_74 = arith.constant 0 : index
    %swap3A_75 = arith.constant 0 : index
    %swap3A_76 = vector.load %arg12[%swap3A_74, %swap3A_75] : memref<1x128xf32, #tpu.memory_space<vmem>>, vector<1x128xf32>
    tpu.vector_store %arg12[%swap3A_74, %swap3A_75], %add3A_73 {strides = array<i32>} : memref<1x128xf32, #tpu.memory_space<vmem>>, vector<1x128xf32>,
    %get3A_77 = arith.constant 0 : index
    %get3A_78 = arith.constant 0 : index
    %get3A_79 = vector.load %arg13[%get3A_77, %get3A_78] : memref<1x128xf32, #tpu.memory_space<vmem>>, vector<1x128xf32>
    %mul3A_80 = arith.mulf %add3A_63, %add3A_63 : vector<4000x128xf32>
    %reduce_sum3A_81 = arith.constant dense<0.000000e+00> : vector<128xf32>
    %reduce_sum3A_82 = vector.multi_reduction <add>, %mul3A_80, %reduce_sum3A_81 [0] : vector<4000x128xf32> to vector<128xf32>
    %broadcast_in_dim3A_83 = vector.shape_cast %reduce_sum3A_82 : vector<128xf32> to vector<1x128xf32>
    %add3A_84 = arith.addf %get3A_79, %broadcast_in_dim3A_83 : vector<1x128xf32>
    %swap3A_85 = arith.constant 0 : index
    %swap3A_86 = arith.constant 0 : index
    %swap3A_87 = vector.load %arg13[%swap3A_85, %swap3A_86] : memref<1x128xf32, #tpu.memory_space<vmem>>, vector<1x128xf32>
    tpu.vector_store %arg13[%swap3A_85, %swap3A_86], %add3A_84 {strides = array<i32>} : memref<1x128xf32, #tpu.memory_space<vmem>>, vector<1x128xf32>,
    return
  }
  func.func @transform_0(%arg0: i32) -> (i32, i32) {
    %c0_i32 = arith.constant 0 : i32
    %c0_i32_0 = arith.constant 0 : i32
    return %arg0, %c0_i32 : i32, i32
  }
  func.func @transform_1(%arg0: i32) -> (i32, i32) {
    %c0_i32 = arith.constant 0 : i32
    %c0_i32_0 = arith.constant 0 : i32
    return %arg0, %c0_i32 : i32, i32
  }
  func.func @transform_2(%arg0: i32) -> (i32, i32, i32) {
    %jit3A = arith.constant 8 : i32
    %div3A = arith.divsi %arg0, %jit3A : i32
    %sign3A = arith.constant 0 : i32
    %sign3A_0 = arith.cmpi sgt, %arg0, %sign3A : i32
    %sign3A_1 = arith.extui %sign3A_0 : i1 to i32
    %sign3A_2 = arith.constant 0 : i32
    %sign3A_3 = arith.cmpi slt, %arg0, %sign3A_2 : i32
    %sign3A_4 = arith.extui %sign3A_3 : i1 to i32
    %sign3A_5 = arith.subi %sign3A_1, %sign3A_4 : i32
    %sign3A_6 = arith.constant 0 : i32
    %sign3A_7 = arith.cmpi sgt, %jit3A, %sign3A_6 : i32
    %sign3A_8 = arith.extui %sign3A_7 : i1 to i32
    %sign3A_9 = arith.constant 0 : i32
    %sign3A_10 = arith.cmpi slt, %jit3A, %sign3A_9 : i32
    %sign3A_11 = arith.extui %sign3A_10 : i1 to i32
    %sign3A_12 = arith.subi %sign3A_8, %sign3A_11 : i32
    %ne3A = arith.cmpi ne, %sign3A_5, %sign3A_12 : i32
    %rem3A = arith.remsi %arg0, %jit3A : i32
    %ne3A_13 = arith.constant 0 : i32
    %ne3A_14 = arith.cmpi ne, %rem3A, %ne3A_13 : i32
    %and3A = arith.andi %ne3A, %ne3A_14 : i1
    %sub3A = arith.constant 1 : i32
    %sub3A_15 = arith.subi %div3A, %sub3A : i32
    %select_n3A = arith.select %and3A, %sub3A_15, %div3A : i32
    %c0_i32 = arith.constant 0 : i32
    %c0_i32_16 = arith.constant 0 : i32
    %c0_i32_17 = arith.constant 0 : i32
    return %select_n3A, %c0_i32, %c0_i32_16 : i32, i32, i32
  }
  func.func @transform_3(%arg0: i32) -> (i32, i32) {
    %c0_i32 = arith.constant 0 : i32
    %c0_i32_0 = arith.constant 0 : i32
    %c0_i32_1 = arith.constant 0 : i32
    return %c0_i32, %c0_i32_0 : i32, i32
  }
  func.func @transform_4(%arg0: i32) -> (i32, i32) {
    %c0_i32 = arith.constant 0 : i32
    %c0_i32_0 = arith.constant 0 : i32
    %c0_i32_1 = arith.constant 0 : i32
    return %c0_i32, %c0_i32_0 : i32, i32
  }
  func.func @transform_5(%arg0: i32) -> (i32, i32) {
    %c0_i32 = arith.constant 0 : i32
    %c0_i32_0 = arith.constant 0 : i32
    %c0_i32_1 = arith.constant 0 : i32
    return %c0_i32, %c0_i32_0 : i32, i32
  }
  func.func @transform_6(%arg0: i32) -> (i32, i32) {
    %c0_i32 = arith.constant 0 : i32
    %c0_i32_0 = arith.constant 0 : i32
    %c0_i32_1 = arith.constant 0 : i32
    return %c0_i32, %c0_i32_0 : i32, i32
  }
  func.func @transform_7(%arg0: i32) -> (i32, i32) {
    %c0_i32 = arith.constant 0 : i32
    %c0_i32_0 = arith.constant 0 : i32
    %c0_i32_1 = arith.constant 0 : i32
    return %c0_i32, %c0_i32_0 : i32, i32
  }
  func.func @transform_8(%arg0: i32) -> (i32, i32) {
    %c0_i32 = arith.constant 0 : i32
    %c0_i32_0 = arith.constant 0 : i32
    %c0_i32_1 = arith.constant 0 : i32
    return %c0_i32, %c0_i32_0 : i32, i32
  }
  func.func @transform_9(%arg0: i32) -> (i32, i32) {
    %c0_i32 = arith.constant 0 : i32
    %c0_i32_0 = arith.constant 0 : i32
    %c0_i32_1 = arith.constant 0 : i32
    return %c0_i32, %c0_i32_0 : i32, i32
  }
  func.func @transform_10(%arg0: i32) -> (i32, i32) {
    %c0_i32 = arith.constant 0 : i32
    %c0_i32_0 = arith.constant 0 : i32
    return %arg0, %c0_i32 : i32, i32
  }
  func.func @transform_11(%arg0: i32) -> (i32, i32) {
    %c0_i32 = arith.constant 0 : i32
    %c0_i32_0 = arith.constant 0 : i32
    %c0_i32_1 = arith.constant 0 : i32
    return %c0_i32, %c0_i32_0 : i32, i32
  }
  func.func @transform_12(%arg0: i32) -> (i32, i32) {
    %c0_i32 = arith.constant 0 : i32
    %c0_i32_0 = arith.constant 0 : i32
    %c0_i32_1 = arith.constant 0 : i32
    return %c0_i32, %c0_i32_0 : i32, i32
  }
}

module attributes {stable_mosaic.version = 14 : i64} {
  func.func @_edge_stats_body(%arg0: i32, %arg1: memref<4000x256xf32, #tpu.memory_space<vmem>>, %arg2: memref<4000x128xf32, #tpu.memory_space<vmem>>, %arg3: memref<1x1x128xf32, #tpu.memory_space<vmem>>, %arg4: memref<256x512xf32, #tpu.memory_space<vmem>>, %arg5: memref<128x512xf32, #tpu.memory_space<vmem>>, %arg6: memref<128x512xf32, #tpu.memory_space<vmem>>, %arg7: memref<1x512xf32, #tpu.memory_space<vmem>>, %arg8: memref<1x512xf32, #tpu.memory_space<vmem>>, %arg9: memref<1x512xf32, #tpu.memory_space<vmem>>) attributes {dimension_semantics = [#tpu.dimension_semantics<arbitrary>], iteration_bounds = array<i64: 80>, scalar_prefetch = 0 : i64, scratch_operands = 0 : i64, tpu.core_type = #tpu.core_type<tc>, window_params = [{transform_indices = @transform_0, window_bounds = array<i64: 4000, 256>}, {transform_indices = @transform_1, window_bounds = array<i64: 4000, 128>}, {transform_indices = @transform_2, window_bounds = array<i64: 1, 1, 128>}, {pipeline_mode = #tpu.pipeline_mode<synchronous>, transform_indices = @transform_3, window_bounds = array<i64: 256, 512>}, {pipeline_mode = #tpu.pipeline_mode<synchronous>, transform_indices = @transform_4, window_bounds = array<i64: 128, 512>}, {pipeline_mode = #tpu.pipeline_mode<synchronous>, transform_indices = @transform_5, window_bounds = array<i64: 128, 512>}, {pipeline_mode = #tpu.pipeline_mode<synchronous>, transform_indices = @transform_6, window_bounds = array<i64: 1, 512>}, {pipeline_mode = #tpu.pipeline_mode<synchronous>, transform_indices = @transform_7, window_bounds = array<i64: 1, 512>}, {pipeline_mode = #tpu.pipeline_mode<synchronous>, transform_indices = @transform_8, window_bounds = array<i64: 1, 512>}]} {
    %get3A = arith.constant 0 : index
    %get3A_0 = arith.constant 0 : index
    %get3A_1 = arith.constant 0 : index
    %get3A_2 = vector.load %arg3[%get3A, %get3A_0, %get3A_1] : memref<1x1x128xf32, #tpu.memory_space<vmem>>, vector<1x1x128xf32>
    %get3A_3 = vector.shape_cast %get3A_2 : vector<1x1x128xf32> to vector<1x128xf32>
    %get3A_4 = arith.constant 0 : index
    %get3A_5 = arith.constant 0 : index
    %get3A_6 = vector.load %arg6[%get3A_4, %get3A_5] : memref<128x512xf32, #tpu.memory_space<vmem>>, vector<128x512xf32>
    %convert_element_type3A = arith.truncf %get3A_3 : vector<1x128xf32> to vector<1x128xbf16>
    %convert_element_type3A_7 = arith.truncf %get3A_6 : vector<128x512xf32> to vector<128x512xbf16>
    %dot_general3A = arith.constant dense<0.000000e+00> : vector<1x512xf32>
    %dot_general3A_8 = tpu.matmul %convert_element_type3A, %convert_element_type3A_7, %dot_general3A {dimension_numbers = #tpu.dot_dimension_numbers<[1], [0], [0], [1], [0, 0, 1, 1], [], []>, transpose_lhs_hint = false} : vector<1x128xbf16>, vector<128x512xbf16>, vector<1x512xf32> -> vector<1x512xf32>
    %get3A_9 = arith.constant 0 : index
    %get3A_10 = arith.constant 0 : index
    %get3A_11 = vector.load %arg7[%get3A_9, %get3A_10] : memref<1x512xf32, #tpu.memory_space<vmem>>, vector<1x512xf32>
    %add3A = arith.addf %dot_general3A_8, %get3A_11 : vector<1x512xf32>
    %get3A_12 = arith.constant 0 : index
    %get3A_13 = arith.constant 0 : index
    %get3A_14 = vector.load %arg1[%get3A_12, %get3A_13] : memref<4000x256xf32, #tpu.memory_space<vmem>>, vector<4000x256xf32>
    %get3A_15 = arith.constant 0 : index
    %get3A_16 = arith.constant 0 : index
    %get3A_17 = vector.load %arg4[%get3A_15, %get3A_16] : memref<256x512xf32, #tpu.memory_space<vmem>>, vector<256x512xf32>
    %convert_element_type3A_18 = arith.truncf %get3A_14 : vector<4000x256xf32> to vector<4000x256xbf16>
    %convert_element_type3A_19 = arith.truncf %get3A_17 : vector<256x512xf32> to vector<256x512xbf16>
    %dot_general3A_20 = arith.constant dense<0.000000e+00> : vector<4000x512xf32>
    %dot_general3A_21 = tpu.matmul %convert_element_type3A_18, %convert_element_type3A_19, %dot_general3A_20 {dimension_numbers = #tpu.dot_dimension_numbers<[1], [0], [0], [1], [0, 0, 1, 1], [], []>, transpose_lhs_hint = false} : vector<4000x256xbf16>, vector<256x512xbf16>, vector<4000x512xf32> -> vector<4000x512xf32>
    %get3A_22 = arith.constant 0 : index
    %get3A_23 = arith.constant 0 : index
    %get3A_24 = vector.load %arg2[%get3A_22, %get3A_23] : memref<4000x128xf32, #tpu.memory_space<vmem>>, vector<4000x128xf32>
    %get3A_25 = arith.constant 0 : index
    %get3A_26 = arith.constant 0 : index
    %get3A_27 = vector.load %arg5[%get3A_25, %get3A_26] : memref<128x512xf32, #tpu.memory_space<vmem>>, vector<128x512xf32>
    %convert_element_type3A_28 = arith.truncf %get3A_24 : vector<4000x128xf32> to vector<4000x128xbf16>
    %convert_element_type3A_29 = arith.truncf %get3A_27 : vector<128x512xf32> to vector<128x512xbf16>
    %dot_general3A_30 = arith.constant dense<0.000000e+00> : vector<4000x512xf32>
    %dot_general3A_31 = tpu.matmul %convert_element_type3A_28, %convert_element_type3A_29, %dot_general3A_30 {dimension_numbers = #tpu.dot_dimension_numbers<[1], [0], [0], [1], [0, 0, 1, 1], [], []>, transpose_lhs_hint = false} : vector<4000x128xbf16>, vector<128x512xbf16>, vector<4000x512xf32> -> vector<4000x512xf32>
    %add3A_32 = vector.broadcast %add3A : vector<1x512xf32> to vector<4000x512xf32>
    %add3A_33 = arith.addf %dot_general3A_31, %add3A_32 : vector<4000x512xf32>
    %add3A_34 = arith.addf %dot_general3A_21, %add3A_33 : vector<4000x512xf32>
    %eq3A = arith.constant 0 : i32
    %eq3A_35 = arith.cmpi eq, %arg0, %eq3A : i32
    %convert_element_type3A_36 = arith.extui %eq3A_35 : i1 to i32
    %cond3A = arith.constant 0 : i32
    %cond3A_37 = arith.cmpi ne, %convert_element_type3A_36, %cond3A : i32
    scf.if %cond3A_37 {
      %broadcast_in_dim3A_55 = arith.constant 0.000000e+00 : f32
      %broadcast_in_dim3A_56 = vector.broadcast %broadcast_in_dim3A_55 : f32 to vector<1x512xf32>
      %swap3A_57 = arith.constant 0 : index
      %swap3A_58 = arith.constant 0 : index
      %swap3A_59 = vector.load %arg8[%swap3A_57, %swap3A_58] : memref<1x512xf32, #tpu.memory_space<vmem>>, vector<1x512xf32>
      tpu.vector_store %arg8[%swap3A_57, %swap3A_58], %broadcast_in_dim3A_56 {strides = array<i32>} : memref<1x512xf32, #tpu.memory_space<vmem>>, vector<1x512xf32>,
      %broadcast_in_dim3A_60 = arith.constant 0.000000e+00 : f32
      %broadcast_in_dim3A_61 = vector.broadcast %broadcast_in_dim3A_60 : f32 to vector<1x512xf32>
      %swap3A_62 = arith.constant 0 : index
      %swap3A_63 = arith.constant 0 : index
      %swap3A_64 = vector.load %arg9[%swap3A_62, %swap3A_63] : memref<1x512xf32, #tpu.memory_space<vmem>>, vector<1x512xf32>
      tpu.vector_store %arg9[%swap3A_62, %swap3A_63], %broadcast_in_dim3A_61 {strides = array<i32>} : memref<1x512xf32, #tpu.memory_space<vmem>>, vector<1x512xf32>,
    } else {
    }
    %get3A_38 = arith.constant 0 : index
    %get3A_39 = arith.constant 0 : index
    %get3A_40 = vector.load %arg8[%get3A_38, %get3A_39] : memref<1x512xf32, #tpu.memory_space<vmem>>, vector<1x512xf32>
    %reduce_sum3A = arith.constant dense<0.000000e+00> : vector<512xf32>
    %reduce_sum3A_41 = vector.multi_reduction <add>, %add3A_34, %reduce_sum3A [0] : vector<4000x512xf32> to vector<512xf32>
    %broadcast_in_dim3A = vector.shape_cast %reduce_sum3A_41 : vector<512xf32> to vector<1x512xf32>
    %add3A_42 = arith.addf %get3A_40, %broadcast_in_dim3A : vector<1x512xf32>
    %swap3A = arith.constant 0 : index
    %swap3A_43 = arith.constant 0 : index
    %swap3A_44 = vector.load %arg8[%swap3A, %swap3A_43] : memref<1x512xf32, #tpu.memory_space<vmem>>, vector<1x512xf32>
    tpu.vector_store %arg8[%swap3A, %swap3A_43], %add3A_42 {strides = array<i32>} : memref<1x512xf32, #tpu.memory_space<vmem>>, vector<1x512xf32>,
    %get3A_45 = arith.constant 0 : index
    %get3A_46 = arith.constant 0 : index
    %get3A_47 = vector.load %arg9[%get3A_45, %get3A_46] : memref<1x512xf32, #tpu.memory_space<vmem>>, vector<1x512xf32>
    %mul3A = arith.mulf %add3A_34, %add3A_34 : vector<4000x512xf32>
    %reduce_sum3A_48 = arith.constant dense<0.000000e+00> : vector<512xf32>
    %reduce_sum3A_49 = vector.multi_reduction <add>, %mul3A, %reduce_sum3A_48 [0] : vector<4000x512xf32> to vector<512xf32>
    %broadcast_in_dim3A_50 = vector.shape_cast %reduce_sum3A_49 : vector<512xf32> to vector<1x512xf32>
    %add3A_51 = arith.addf %get3A_47, %broadcast_in_dim3A_50 : vector<1x512xf32>
    %swap3A_52 = arith.constant 0 : index
    %swap3A_53 = arith.constant 0 : index
    %swap3A_54 = vector.load %arg9[%swap3A_52, %swap3A_53] : memref<1x512xf32, #tpu.memory_space<vmem>>, vector<1x512xf32>
    tpu.vector_store %arg9[%swap3A_52, %swap3A_53], %add3A_51 {strides = array<i32>} : memref<1x512xf32, #tpu.memory_space<vmem>>, vector<1x512xf32>,
    return
  }
  func.func @transform_0(%arg0: i32) -> (i32, i32) {
    %c0_i32 = arith.constant 0 : i32
    %c0_i32_0 = arith.constant 0 : i32
    return %arg0, %c0_i32 : i32, i32
  }
  func.func @transform_1(%arg0: i32) -> (i32, i32) {
    %c0_i32 = arith.constant 0 : i32
    %c0_i32_0 = arith.constant 0 : i32
    return %arg0, %c0_i32 : i32, i32
  }
  func.func @transform_2(%arg0: i32) -> (i32, i32, i32) {
    %jit3A = arith.constant 8 : i32
    %div3A = arith.divsi %arg0, %jit3A : i32
    %sign3A = arith.constant 0 : i32
    %sign3A_0 = arith.cmpi sgt, %arg0, %sign3A : i32
    %sign3A_1 = arith.extui %sign3A_0 : i1 to i32
    %sign3A_2 = arith.constant 0 : i32
    %sign3A_3 = arith.cmpi slt, %arg0, %sign3A_2 : i32
    %sign3A_4 = arith.extui %sign3A_3 : i1 to i32
    %sign3A_5 = arith.subi %sign3A_1, %sign3A_4 : i32
    %sign3A_6 = arith.constant 0 : i32
    %sign3A_7 = arith.cmpi sgt, %jit3A, %sign3A_6 : i32
    %sign3A_8 = arith.extui %sign3A_7 : i1 to i32
    %sign3A_9 = arith.constant 0 : i32
    %sign3A_10 = arith.cmpi slt, %jit3A, %sign3A_9 : i32
    %sign3A_11 = arith.extui %sign3A_10 : i1 to i32
    %sign3A_12 = arith.subi %sign3A_8, %sign3A_11 : i32
    %ne3A = arith.cmpi ne, %sign3A_5, %sign3A_12 : i32
    %rem3A = arith.remsi %arg0, %jit3A : i32
    %ne3A_13 = arith.constant 0 : i32
    %ne3A_14 = arith.cmpi ne, %rem3A, %ne3A_13 : i32
    %and3A = arith.andi %ne3A, %ne3A_14 : i1
    %sub3A = arith.constant 1 : i32
    %sub3A_15 = arith.subi %div3A, %sub3A : i32
    %select_n3A = arith.select %and3A, %sub3A_15, %div3A : i32
    %c0_i32 = arith.constant 0 : i32
    %c0_i32_16 = arith.constant 0 : i32
    %c0_i32_17 = arith.constant 0 : i32
    return %select_n3A, %c0_i32, %c0_i32_16 : i32, i32, i32
  }
  func.func @transform_3(%arg0: i32) -> (i32, i32) {
    %c0_i32 = arith.constant 0 : i32
    %c0_i32_0 = arith.constant 0 : i32
    %c0_i32_1 = arith.constant 0 : i32
    return %c0_i32, %c0_i32_0 : i32, i32
  }
  func.func @transform_4(%arg0: i32) -> (i32, i32) {
    %c0_i32 = arith.constant 0 : i32
    %c0_i32_0 = arith.constant 0 : i32
    %c0_i32_1 = arith.constant 0 : i32
    return %c0_i32, %c0_i32_0 : i32, i32
  }
  func.func @transform_5(%arg0: i32) -> (i32, i32) {
    %c0_i32 = arith.constant 0 : i32
    %c0_i32_0 = arith.constant 0 : i32
    %c0_i32_1 = arith.constant 0 : i32
    return %c0_i32, %c0_i32_0 : i32, i32
  }
  func.func @transform_6(%arg0: i32) -> (i32, i32) {
    %c0_i32 = arith.constant 0 : i32
    %c0_i32_0 = arith.constant 0 : i32
    %c0_i32_1 = arith.constant 0 : i32
    return %c0_i32, %c0_i32_0 : i32, i32
  }
  func.func @transform_7(%arg0: i32) -> (i32, i32) {
    %c0_i32 = arith.constant 0 : i32
    %c0_i32_0 = arith.constant 0 : i32
    %c0_i32_1 = arith.constant 0 : i32
    return %c0_i32, %c0_i32_0 : i32, i32
  }
  func.func @transform_8(%arg0: i32) -> (i32, i32) {
    %c0_i32 = arith.constant 0 : i32
    %c0_i32_0 = arith.constant 0 : i32
    %c0_i32_1 = arith.constant 0 : i32
    return %c0_i32, %c0_i32_0 : i32, i32
  }
}

module attributes {stable_mosaic.version = 14 : i64} {
  func.func @_edge_final_body(%arg0: i32, %arg1: memref<4000x128xf32, #tpu.memory_space<vmem>>, %arg2: memref<1x1x4000xi32, #tpu.memory_space<vmem>>, %arg3: memref<2x128xf32, #tpu.memory_space<vmem>>, %arg4: memref<4000x128xf32, #tpu.memory_space<vmem>>, %arg5: memref<1x1024x128xf32, #tpu.memory_space<vmem>>, %arg6: memref<1x1x1024xf32, #tpu.memory_space<vmem>>) attributes {dimension_semantics = [#tpu.dimension_semantics<arbitrary>], iteration_bounds = array<i64: 80>, scalar_prefetch = 0 : i64, scratch_operands = 0 : i64, tpu.core_type = #tpu.core_type<tc>, window_params = [{transform_indices = @transform_0, window_bounds = array<i64: 4000, 128>}, {transform_indices = @transform_1, window_bounds = array<i64: 1, 1, 4000>}, {pipeline_mode = #tpu.pipeline_mode<synchronous>, transform_indices = @transform_2, window_bounds = array<i64: 2, 128>}, {transform_indices = @transform_3, window_bounds = array<i64: 4000, 128>}, {transform_indices = @transform_4, window_bounds = array<i64: 1, 1024, 128>}, {transform_indices = @transform_5, window_bounds = array<i64: 1, 1, 1024>}]} {
    %get3A = arith.constant 0 : index
    %get3A_0 = arith.constant 0 : index
    %get3A_1 = vector.load %arg1[%get3A, %get3A_0] : memref<4000x128xf32, #tpu.memory_space<vmem>>, vector<4000x128xf32>
    %get3A_2 = arith.constant 0 : index
    %get3A_3 = arith.constant 0 : index
    %get3A_4 = vector.load %arg3[%get3A_2, %get3A_3] : memref<2x128xf32, #tpu.memory_space<vmem>>, vector<1x128xf32>
    %mul3A = vector.broadcast %get3A_4 : vector<1x128xf32> to vector<4000x128xf32>
    %mul3A_5 = arith.mulf %get3A_1, %mul3A : vector<4000x128xf32>
    %get3A_6 = arith.constant 1 : index
    %get3A_7 = arith.constant 0 : index
    %get3A_8 = vector.load %arg3[%get3A_6, %get3A_7] : memref<2x128xf32, #tpu.memory_space<vmem>>, vector<1x128xf32>
    %add3A = vector.broadcast %get3A_8 : vector<1x128xf32> to vector<4000x128xf32>
    %add3A_9 = arith.addf %mul3A_5, %add3A : vector<4000x128xf32>
    %max3A = arith.constant 0.000000e+00 : f32
    %max3A_10 = vector.broadcast %max3A : f32 to vector<4000x128xf32>
    %max3A_11 = arith.maximumf %add3A_9, %max3A_10 : vector<4000x128xf32>
    %abs3A = math.absf %add3A_9 : vector<4000x128xf32>
    %neg3A = arith.constant 0.000000e+00 : f32
    %neg3A_12 = vector.broadcast %neg3A : f32 to vector<4000x128xf32>
    %neg3A_13 = arith.subf %neg3A_12, %abs3A : vector<4000x128xf32>
    %exp3A = math.exp %neg3A_13 : vector<4000x128xf32>
    %add3A_14 = arith.constant 1.000000e+00 : f32
    %add3A_15 = vector.broadcast %add3A_14 : f32 to vector<4000x128xf32>
    %add3A_16 = arith.addf %add3A_15, %exp3A : vector<4000x128xf32>
    %log3A = math.log %add3A_16 : vector<4000x128xf32>
    %add3A_17 = arith.addf %max3A_11, %log3A : vector<4000x128xf32>
    %swap3A = arith.constant 0 : index
    %swap3A_18 = arith.constant 0 : index
    %swap3A_19 = vector.load %arg4[%swap3A, %swap3A_18] : memref<4000x128xf32, #tpu.memory_space<vmem>>, vector<4000x128xf32>
    tpu.vector_store %arg4[%swap3A, %swap3A_18], %add3A_17 {strides = array<i32>} : memref<4000x128xf32, #tpu.memory_space<vmem>>, vector<4000x128xf32>,
    %get3A_20 = arith.constant 0 : index
    %get3A_21 = arith.constant 0 : index
    %get3A_22 = arith.constant 0 : index
    %get3A_23 = vector.load %arg2[%get3A_20, %get3A_21, %get3A_22] : memref<1x1x4000xi32, #tpu.memory_space<vmem>>, vector<1x1x4000xi32>
    %get3A_24 = vector.shape_cast %get3A_23 : vector<1x1x4000xi32> to vector<4000xi32>
    %reshape3A = vector.shape_cast %get3A_24 : vector<4000xi32> to vector<4000x1xi32>
    %jit3A = arith.constant 8 : i32
    %div3A = arith.divsi %arg0, %jit3A : i32
    %sign3A = arith.constant 0 : i32
    %sign3A_25 = arith.cmpi sgt, %arg0, %sign3A : i32
    %sign3A_26 = arith.extui %sign3A_25 : i1 to i32
    %sign3A_27 = arith.constant 0 : i32
    %sign3A_28 = arith.cmpi slt, %arg0, %sign3A_27 : i32
    %sign3A_29 = arith.extui %sign3A_28 : i1 to i32
    %sign3A_30 = arith.subi %sign3A_26, %sign3A_29 : i32
    %sign3A_31 = arith.constant 0 : i32
    %sign3A_32 = arith.cmpi sgt, %jit3A, %sign3A_31 : i32
    %sign3A_33 = arith.extui %sign3A_32 : i1 to i32
    %sign3A_34 = arith.constant 0 : i32
    %sign3A_35 = arith.cmpi slt, %jit3A, %sign3A_34 : i32
    %sign3A_36 = arith.extui %sign3A_35 : i1 to i32
    %sign3A_37 = arith.subi %sign3A_33, %sign3A_36 : i32
    %ne3A = arith.cmpi ne, %sign3A_30, %sign3A_37 : i32
    %rem3A = arith.remsi %arg0, %jit3A : i32
    %ne3A_38 = arith.constant 0 : i32
    %ne3A_39 = arith.cmpi ne, %rem3A, %ne3A_38 : i32
    %and3A = arith.andi %ne3A, %ne3A_39 : i1
    %sub3A = arith.constant 1 : i32
    %sub3A_40 = arith.subi %div3A, %sub3A : i32
    %select_n3A = arith.select %and3A, %sub3A_40, %div3A : i32
    %mul3A_41 = arith.constant 1000 : i32
    %mul3A_42 = arith.muli %select_n3A, %mul3A_41 : i32
    %sub3A_43 = vector.broadcast %mul3A_42 : i32 to vector<4000x1xi32>
    %sub3A_44 = arith.subi %reshape3A, %sub3A_43 : vector<4000x1xi32>
    %iota3A = tpu.iota {dimensions = array<i32: 1>} : vector<4000x1024xi32>
    %eq3A = vector.broadcast %sub3A_44 : vector<4000x1xi32> to vector<4000x1024xi32>
    %eq3A_45 = arith.cmpi eq, %eq3A, %iota3A : vector<4000x1024xi32>
    %jit3A_46 = arith.constant 8 : i32
    %eq3A_47 = arith.constant 0 : i32
    %eq3A_48 = arith.cmpi eq, %jit3A_46, %eq3A_47 : i32
    %jit3A_49 = arith.constant 1 : i32
    %select_n3A_50 = arith.select %eq3A_48, %jit3A_49, %jit3A_46 : i32
    %rem3A_51 = arith.remsi %arg0, %select_n3A_50 : i32
    %ne3A_52 = arith.constant 0 : i32
    %ne3A_53 = arith.cmpi ne, %rem3A_51, %ne3A_52 : i32
    %lt3A = arith.constant 0 : i32
    %lt3A_54 = arith.cmpi slt, %rem3A_51, %lt3A : i32
    %lt3A_55 = arith.constant 0 : i32
    %lt3A_56 = arith.cmpi slt, %select_n3A_50, %lt3A_55 : i32
    %ne3A_57 = arith.xori %lt3A_54, %lt3A_56 : i1
    %and3A_58 = arith.andi %ne3A_57, %ne3A_53 : i1
    %add3A_59 = arith.addi %rem3A_51, %select_n3A_50 : i32
    %select_n3A_60 = arith.select %and3A_58, %add3A_59, %rem3A_51 : i32
    %eq3A_61 = arith.constant 0 : i32
    %eq3A_62 = arith.cmpi eq, %select_n3A_60, %eq3A_61 : i32
    %convert_element_type3A = arith.extui %eq3A_62 : i1 to i32
    %cond3A = arith.constant 0 : i32
    %cond3A_63 = arith.cmpi ne, %convert_element_type3A, %cond3A : i32
    scf.if %cond3A_63 {
      %broadcast_in_dim3A_96 = arith.constant 0.000000e+00 : f32
      %broadcast_in_dim3A_97 = vector.broadcast %broadcast_in_dim3A_96 : f32 to vector<1x1024x128xf32>
      %swap3A_98 = arith.constant 0 : index
      %swap3A_99 = arith.constant 0 : index
      %swap3A_100 = arith.constant 0 : index
      %swap3A_101 = vector.load %arg5[%swap3A_98, %swap3A_99, %swap3A_100] : memref<1x1024x128xf32, #tpu.memory_space<vmem>>, vector<1x1024x128xf32>
      tpu.vector_store %arg5[%swap3A_98, %swap3A_99, %swap3A_100], %broadcast_in_dim3A_97 {strides = array<i32>} : memref<1x1024x128xf32, #tpu.memory_space<vmem>>, vector<1x1024x128xf32>,
      %broadcast_in_dim3A_102 = arith.constant 0.000000e+00 : f32
      %broadcast_in_dim3A_103 = vector.broadcast %broadcast_in_dim3A_102 : f32 to vector<1x1x1024xf32>
      %swap3A_104 = arith.constant 0 : index
      %swap3A_105 = arith.constant 0 : index
      %swap3A_106 = arith.constant 0 : index
      %swap3A_107 = vector.load %arg6[%swap3A_104, %swap3A_105, %swap3A_106] : memref<1x1x1024xf32, #tpu.memory_space<vmem>>, vector<1x1x1024xf32>
      tpu.vector_store %arg6[%swap3A_104, %swap3A_105, %swap3A_106], %broadcast_in_dim3A_103 {strides = array<i32>} : memref<1x1x1024xf32, #tpu.memory_space<vmem>>, vector<1x1x1024xf32>,
    } else {
    }
    %convert_element_type3A_64 = arith.extui %eq3A_45 : vector<4000x1024xi1> to vector<4000x1024xi32>
    %convert_element_type3A_65 = arith.sitofp %convert_element_type3A_64 : vector<4000x1024xi32> to vector<4000x1024xf32>
    %convert_element_type3A_66 = arith.truncf %convert_element_type3A_65 : vector<4000x1024xf32> to vector<4000x1024xbf16>
    %convert_element_type3A_67 = arith.truncf %add3A_17 : vector<4000x128xf32> to vector<4000x128xbf16>
    %dot_general3A = arith.constant dense<0.000000e+00> : vector<1024x128xf32>
    %dot_general3A_68 = tpu.matmul %convert_element_type3A_66, %convert_element_type3A_67, %dot_general3A {dimension_numbers = #tpu.dot_dimension_numbers<[0], [0], [1], [1], [0, 1, 1, 1], [], []>, transpose_lhs_hint = false} : vector<4000x1024xbf16>, vector<4000x128xbf16>, vector<1024x128xf32> -> vector<1024x128xf32>
    %get3A_69 = arith.constant 0 : index
    %get3A_70 = arith.constant 0 : index
    %get3A_71 = arith.constant 0 : index
    %get3A_72 = vector.load %arg5[%get3A_69, %get3A_70, %get3A_71] : memref<1x1024x128xf32, #tpu.memory_space<vmem>>, vector<1x1024x128xf32>
    %get3A_73 = vector.shape_cast %get3A_72 : vector<1x1024x128xf32> to vector<1024x128xf32>
    %add3A_74 = arith.addf %get3A_73, %dot_general3A_68 : vector<1024x128xf32>
    %swap3A_75 = arith.constant 0 : index
    %swap3A_76 = arith.constant 0 : index
    %swap3A_77 = arith.constant 0 : index
    %swap3A_78 = vector.load %arg5[%swap3A_75, %swap3A_76, %swap3A_77] : memref<1x1024x128xf32, #tpu.memory_space<vmem>>, vector<1x1024x128xf32>
    %swap3A_79 = vector.shape_cast %swap3A_78 : vector<1x1024x128xf32> to vector<1024x128xf32>
    %swap3A_80 = vector.shape_cast %add3A_74 : vector<1024x128xf32> to vector<1x1024x128xf32>
    tpu.vector_store %arg5[%swap3A_75, %swap3A_76, %swap3A_77], %swap3A_80 {strides = array<i32>} : memref<1x1024x128xf32, #tpu.memory_space<vmem>>, vector<1x1024x128xf32>,
    %get3A_81 = arith.constant 0 : index
    %get3A_82 = arith.constant 0 : index
    %get3A_83 = arith.constant 0 : index
    %get3A_84 = vector.load %arg6[%get3A_81, %get3A_82, %get3A_83] : memref<1x1x1024xf32, #tpu.memory_space<vmem>>, vector<1x1x1024xf32>
    %get3A_85 = vector.shape_cast %get3A_84 : vector<1x1x1024xf32> to vector<1x1024xf32>
    %convert_element_type3A_86 = arith.extui %eq3A_45 : vector<4000x1024xi1> to vector<4000x1024xi32>
    %convert_element_type3A_87 = arith.sitofp %convert_element_type3A_86 : vector<4000x1024xi32> to vector<4000x1024xf32>
    %reduce_sum3A = arith.constant dense<0.000000e+00> : vector<1024xf32>
    %reduce_sum3A_88 = vector.multi_reduction <add>, %convert_element_type3A_87, %reduce_sum3A [0] : vector<4000x1024xf32> to vector<1024xf32>
    %broadcast_in_dim3A = vector.shape_cast %reduce_sum3A_88 : vector<1024xf32> to vector<1x1024xf32>
    %add3A_89 = arith.addf %get3A_85, %broadcast_in_dim3A : vector<1x1024xf32>
    %swap3A_90 = arith.constant 0 : index
    %swap3A_91 = arith.constant 0 : index
    %swap3A_92 = arith.constant 0 : index
    %swap3A_93 = vector.load %arg6[%swap3A_90, %swap3A_91, %swap3A_92] : memref<1x1x1024xf32, #tpu.memory_space<vmem>>, vector<1x1x1024xf32>
    %swap3A_94 = vector.shape_cast %swap3A_93 : vector<1x1x1024xf32> to vector<1x1024xf32>
    %swap3A_95 = vector.shape_cast %add3A_89 : vector<1x1024xf32> to vector<1x1x1024xf32>
    tpu.vector_store %arg6[%swap3A_90, %swap3A_91, %swap3A_92], %swap3A_95 {strides = array<i32>} : memref<1x1x1024xf32, #tpu.memory_space<vmem>>, vector<1x1x1024xf32>,
    return
  }
  func.func @transform_0(%arg0: i32) -> (i32, i32) {
    %c0_i32 = arith.constant 0 : i32
    %c0_i32_0 = arith.constant 0 : i32
    return %arg0, %c0_i32 : i32, i32
  }
  func.func @transform_1(%arg0: i32) -> (i32, i32, i32) {
    %c0_i32 = arith.constant 0 : i32
    %c0_i32_0 = arith.constant 0 : i32
    %c0_i32_1 = arith.constant 0 : i32
    return %arg0, %c0_i32, %c0_i32_0 : i32, i32, i32
  }
  func.func @transform_2(%arg0: i32) -> (i32, i32) {
    %c0_i32 = arith.constant 0 : i32
    %c0_i32_0 = arith.constant 0 : i32
    %c0_i32_1 = arith.constant 0 : i32
    return %c0_i32, %c0_i32_0 : i32, i32
  }
  func.func @transform_3(%arg0: i32) -> (i32, i32) {
    %c0_i32 = arith.constant 0 : i32
    %c0_i32_0 = arith.constant 0 : i32
    return %arg0, %c0_i32 : i32, i32
  }
  func.func @transform_4(%arg0: i32) -> (i32, i32, i32) {
    %jit3A = arith.constant 8 : i32
    %div3A = arith.divsi %arg0, %jit3A : i32
    %sign3A = arith.constant 0 : i32
    %sign3A_0 = arith.cmpi sgt, %arg0, %sign3A : i32
    %sign3A_1 = arith.extui %sign3A_0 : i1 to i32
    %sign3A_2 = arith.constant 0 : i32
    %sign3A_3 = arith.cmpi slt, %arg0, %sign3A_2 : i32
    %sign3A_4 = arith.extui %sign3A_3 : i1 to i32
    %sign3A_5 = arith.subi %sign3A_1, %sign3A_4 : i32
    %sign3A_6 = arith.constant 0 : i32
    %sign3A_7 = arith.cmpi sgt, %jit3A, %sign3A_6 : i32
    %sign3A_8 = arith.extui %sign3A_7 : i1 to i32
    %sign3A_9 = arith.constant 0 : i32
    %sign3A_10 = arith.cmpi slt, %jit3A, %sign3A_9 : i32
    %sign3A_11 = arith.extui %sign3A_10 : i1 to i32
    %sign3A_12 = arith.subi %sign3A_8, %sign3A_11 : i32
    %ne3A = arith.cmpi ne, %sign3A_5, %sign3A_12 : i32
    %rem3A = arith.remsi %arg0, %jit3A : i32
    %ne3A_13 = arith.constant 0 : i32
    %ne3A_14 = arith.cmpi ne, %rem3A, %ne3A_13 : i32
    %and3A = arith.andi %ne3A, %ne3A_14 : i1
    %sub3A = arith.constant 1 : i32
    %sub3A_15 = arith.subi %div3A, %sub3A : i32
    %select_n3A = arith.select %and3A, %sub3A_15, %div3A : i32
    %c0_i32 = arith.constant 0 : i32
    %c0_i32_16 = arith.constant 0 : i32
    %c0_i32_17 = arith.constant 0 : i32
    return %select_n3A, %c0_i32, %c0_i32_16 : i32, i32, i32
  }
  func.func @transform_5(%arg0: i32) -> (i32, i32, i32) {
    %jit3A = arith.constant 8 : i32
    %div3A = arith.divsi %arg0, %jit3A : i32
    %sign3A = arith.constant 0 : i32
    %sign3A_0 = arith.cmpi sgt, %arg0, %sign3A : i32
    %sign3A_1 = arith.extui %sign3A_0 : i1 to i32
    %sign3A_2 = arith.constant 0 : i32
    %sign3A_3 = arith.cmpi slt, %arg0, %sign3A_2 : i32
    %sign3A_4 = arith.extui %sign3A_3 : i1 to i32
    %sign3A_5 = arith.subi %sign3A_1, %sign3A_4 : i32
    %sign3A_6 = arith.constant 0 : i32
    %sign3A_7 = arith.cmpi sgt, %jit3A, %sign3A_6 : i32
    %sign3A_8 = arith.extui %sign3A_7 : i1 to i32
    %sign3A_9 = arith.constant 0 : i32
    %sign3A_10 = arith.cmpi slt, %jit3A, %sign3A_9 : i32
    %sign3A_11 = arith.extui %sign3A_10 : i1 to i32
    %sign3A_12 = arith.subi %sign3A_8, %sign3A_11 : i32
    %ne3A = arith.cmpi ne, %sign3A_5, %sign3A_12 : i32
    %rem3A = arith.remsi %arg0, %jit3A : i32
    %ne3A_13 = arith.constant 0 : i32
    %ne3A_14 = arith.cmpi ne, %rem3A, %ne3A_13 : i32
    %and3A = arith.andi %ne3A, %ne3A_14 : i1
    %sub3A = arith.constant 1 : i32
    %sub3A_15 = arith.subi %div3A, %sub3A : i32
    %select_n3A = arith.select %and3A, %sub3A_15, %div3A : i32
    %c0_i32 = arith.constant 0 : i32
    %c0_i32_16 = arith.constant 0 : i32
    %c0_i32_17 = arith.constant 0 : i32
    return %select_n3A, %c0_i32, %c0_i32_16 : i32, i32, i32
  }
}

module attributes {stable_mosaic.version = 14 : i64} {
  func.func @_node_global_body(%arg0: memref<10000x128xf32, #tpu.memory_space<vmem>>, %arg1: memref<10000x128xf32, #tpu.memory_space<vmem>>, %arg2: memref<10000x128xf32, #tpu.memory_space<vmem>>, %arg3: memref<16x128xf32, #tpu.memory_space<vmem>>, %arg4: memref<128x384xf32, #tpu.memory_space<vmem>>, %arg5: memref<128x384xf32, #tpu.memory_space<vmem>>, %arg6: memref<128x384xf32, #tpu.memory_space<vmem>>, %arg7: memref<1x384xf32, #tpu.memory_space<vmem>>, %arg8: memref<1x384xf32, #tpu.memory_space<vmem>>, %arg9: memref<1x384xf32, #tpu.memory_space<vmem>>, %arg10: memref<384x128xf32, #tpu.memory_space<vmem>>, %arg11: memref<1x128xf32, #tpu.memory_space<vmem>>, %arg12: memref<1x128xf32, #tpu.memory_space<vmem>>, %arg13: memref<1x128xf32, #tpu.memory_space<vmem>>, %arg14: memref<128x384xf32, #tpu.memory_space<vmem>>, %arg15: memref<128x384xf32, #tpu.memory_space<vmem>>, %arg16: memref<128x384xf32, #tpu.memory_space<vmem>>, %arg17: memref<1x384xf32, #tpu.memory_space<vmem>>, %arg18: memref<1x384xf32, #tpu.memory_space<vmem>>, %arg19: memref<1x384xf32, #tpu.memory_space<vmem>>, %arg20: memref<384x128xf32, #tpu.memory_space<vmem>>, %arg21: memref<1x128xf32, #tpu.memory_space<vmem>>, %arg22: memref<1x128xf32, #tpu.memory_space<vmem>>, %arg23: memref<1x128xf32, #tpu.memory_space<vmem>>, %arg24: memref<10000x128xf32, #tpu.memory_space<vmem>>, %arg25: memref<16x128xf32, #tpu.memory_space<vmem>>) attributes {dimension_semantics = [], scalar_prefetch = 0 : i64, scratch_operands = 0 : i64, tpu.core_type = #tpu.core_type<tc>} {
    %get3A = arith.constant 0 : index
    %get3A_0 = arith.constant 0 : index
    %get3A_1 = vector.load %arg2[%get3A, %get3A_0] : memref<10000x128xf32, #tpu.memory_space<vmem>>, vector<10000x128xf32>
    %max3A = arith.constant 1.000000e+00 : f32
    %max3A_2 = vector.broadcast %max3A : f32 to vector<10000x128xf32>
    %max3A_3 = arith.maximumf %get3A_1, %max3A_2 : vector<10000x128xf32>
    %get3A_4 = arith.constant 0 : index
    %get3A_5 = arith.constant 0 : index
    %get3A_6 = vector.load %arg1[%get3A_4, %get3A_5] : memref<10000x128xf32, #tpu.memory_space<vmem>>, vector<10000x128xf32>
    %div3A = arith.divf %get3A_6, %max3A_3 : vector<10000x128xf32>
    %iota3A = tpu.iota {dimensions = array<i32: 0>} : vector<10000x16xi32>
    %iota3A_7 = tpu.iota {dimensions = array<i32: 1>} : vector<10000x16xi32>
    %jit3A = arith.constant 1000 : i32
    %div3A_8 = vector.broadcast %jit3A : i32 to vector<10000x16xi32>
    %div3A_9 = arith.divsi %iota3A, %div3A_8 : vector<10000x16xi32>
    %sign3A = arith.constant 0 : i32
    %sign3A_10 = vector.broadcast %sign3A : i32 to vector<10000x16xi32>
    %sign3A_11 = arith.cmpi sgt, %iota3A, %sign3A_10 : vector<10000x16xi32>
    %sign3A_12 = arith.extui %sign3A_11 : vector<10000x16xi1> to vector<10000x16xi32>
    %sign3A_13 = arith.constant 0 : i32
    %sign3A_14 = vector.broadcast %sign3A_13 : i32 to vector<10000x16xi32>
    %sign3A_15 = arith.cmpi slt, %iota3A, %sign3A_14 : vector<10000x16xi32>
    %sign3A_16 = arith.extui %sign3A_15 : vector<10000x16xi1> to vector<10000x16xi32>
    %sign3A_17 = arith.subi %sign3A_12, %sign3A_16 : vector<10000x16xi32>
    %sign3A_18 = arith.constant 0 : i32
    %sign3A_19 = arith.cmpi sgt, %jit3A, %sign3A_18 : i32
    %sign3A_20 = arith.extui %sign3A_19 : i1 to i32
    %sign3A_21 = arith.constant 0 : i32
    %sign3A_22 = arith.cmpi slt, %jit3A, %sign3A_21 : i32
    %sign3A_23 = arith.extui %sign3A_22 : i1 to i32
    %sign3A_24 = arith.subi %sign3A_20, %sign3A_23 : i32
    %ne3A = vector.broadcast %sign3A_24 : i32 to vector<10000x16xi32>
    %ne3A_25 = arith.cmpi ne, %sign3A_17, %ne3A : vector<10000x16xi32>
    %rem3A = vector.broadcast %jit3A : i32 to vector<10000x16xi32>
    %rem3A_26 = arith.remsi %iota3A, %rem3A : vector<10000x16xi32>
    %ne3A_27 = arith.constant 0 : i32
    %ne3A_28 = vector.broadcast %ne3A_27 : i32 to vector<10000x16xi32>
    %ne3A_29 = arith.cmpi ne, %rem3A_26, %ne3A_28 : vector<10000x16xi32>
    %and3A = arith.andi %ne3A_25, %ne3A_29 : vector<10000x16xi1>
    %sub3A = arith.constant 1 : i32
    %sub3A_30 = vector.broadcast %sub3A : i32 to vector<10000x16xi32>
    %sub3A_31 = arith.subi %div3A_9, %sub3A_30 : vector<10000x16xi32>
    %select_n3A = arith.select %and3A, %sub3A_31, %div3A_9 : vector<10000x16xi1>, vector<10000x16xi32>
    %eq3A = arith.cmpi eq, %select_n3A, %iota3A_7 : vector<10000x16xi32>
    %convert_element_type3A = arith.extui %eq3A : vector<10000x16xi1> to vector<10000x16xi32>
    %convert_element_type3A_32 = arith.sitofp %convert_element_type3A : vector<10000x16xi32> to vector<10000x16xf32>
    %convert_element_type3A_33 = arith.truncf %convert_element_type3A_32 : vector<10000x16xf32> to vector<10000x16xbf16>
    %get3A_34 = arith.constant 0 : index
    %get3A_35 = arith.constant 0 : index
    %get3A_36 = vector.load %arg3[%get3A_34, %get3A_35] : memref<16x128xf32, #tpu.memory_space<vmem>>, vector<16x128xf32>
    %get3A_37 = arith.constant 0 : index
    %get3A_38 = arith.constant 0 : index
    %get3A_39 = vector.load %arg6[%get3A_37, %get3A_38] : memref<128x384xf32, #tpu.memory_space<vmem>>, vector<128x384xf32>
    %convert_element_type3A_40 = arith.truncf %get3A_36 : vector<16x128xf32> to vector<16x128xbf16>
    %convert_element_type3A_41 = arith.truncf %get3A_39 : vector<128x384xf32> to vector<128x384xbf16>
    %dot_general3A = arith.constant dense<0.000000e+00> : vector<16x384xf32>
    %dot_general3A_42 = tpu.matmul %convert_element_type3A_40, %convert_element_type3A_41, %dot_general3A {dimension_numbers = #tpu.dot_dimension_numbers<[1], [0], [0], [1], [0, 0, 1, 1], [], []>, transpose_lhs_hint = false} : vector<16x128xbf16>, vector<128x384xbf16>, vector<16x384xf32> -> vector<16x384xf32>
    %get3A_43 = arith.constant 0 : index
    %get3A_44 = arith.constant 0 : index
    %get3A_45 = vector.load %arg0[%get3A_43, %get3A_44] : memref<10000x128xf32, #tpu.memory_space<vmem>>, vector<10000x128xf32>
    %get3A_46 = arith.constant 0 : index
    %get3A_47 = arith.constant 0 : index
    %get3A_48 = vector.load %arg4[%get3A_46, %get3A_47] : memref<128x384xf32, #tpu.memory_space<vmem>>, vector<128x384xf32>
    %convert_element_type3A_49 = arith.truncf %get3A_45 : vector<10000x128xf32> to vector<10000x128xbf16>
    %convert_element_type3A_50 = arith.truncf %get3A_48 : vector<128x384xf32> to vector<128x384xbf16>
    %dot_general3A_51 = arith.constant dense<0.000000e+00> : vector<10000x384xf32>
    %dot_general3A_52 = tpu.matmul %convert_element_type3A_49, %convert_element_type3A_50, %dot_general3A_51 {dimension_numbers = #tpu.dot_dimension_numbers<[1], [0], [0], [1], [0, 0, 1, 1], [], []>, transpose_lhs_hint = false} : vector<10000x128xbf16>, vector<128x384xbf16>, vector<10000x384xf32> -> vector<10000x384xf32>
    %get3A_53 = arith.constant 0 : index
    %get3A_54 = arith.constant 0 : index
    %get3A_55 = vector.load %arg5[%get3A_53, %get3A_54] : memref<128x384xf32, #tpu.memory_space<vmem>>, vector<128x384xf32>
    %convert_element_type3A_56 = arith.truncf %div3A : vector<10000x128xf32> to vector<10000x128xbf16>
    %convert_element_type3A_57 = arith.truncf %get3A_55 : vector<128x384xf32> to vector<128x384xbf16>
    %dot_general3A_58 = arith.constant dense<0.000000e+00> : vector<10000x384xf32>
    %dot_general3A_59 = tpu.matmul %convert_element_type3A_56, %convert_element_type3A_57, %dot_general3A_58 {dimension_numbers = #tpu.dot_dimension_numbers<[1], [0], [0], [1], [0, 0, 1, 1], [], []>, transpose_lhs_hint = false} : vector<10000x128xbf16>, vector<128x384xbf16>, vector<10000x384xf32> -> vector<10000x384xf32>
    %add3A = arith.addf %dot_general3A_52, %dot_general3A_59 : vector<10000x384xf32>
    %convert_element_type3A_60 = arith.truncf %dot_general3A_42 : vector<16x384xf32> to vector<16x384xbf16>
    %dot_general3A_61 = arith.constant dense<0.000000e+00> : vector<10000x384xf32>
    %dot_general3A_62 = tpu.matmul %convert_element_type3A_33, %convert_element_type3A_60, %dot_general3A_61 {dimension_numbers = #tpu.dot_dimension_numbers<[1], [0], [0], [1], [0, 0, 1, 1], [], []>, transpose_lhs_hint = false} : vector<10000x16xbf16>, vector<16x384xbf16>, vector<10000x384xf32> -> vector<10000x384xf32>
    %add3A_63 = arith.addf %add3A, %dot_general3A_62 : vector<10000x384xf32>
    %get3A_64 = arith.constant 0 : index
    %get3A_65 = arith.constant 0 : index
    %get3A_66 = vector.load %arg7[%get3A_64, %get3A_65] : memref<1x384xf32, #tpu.memory_space<vmem>>, vector<1x384xf32>
    %add3A_67 = vector.broadcast %get3A_66 : vector<1x384xf32> to vector<10000x384xf32>
    %add3A_68 = arith.addf %add3A_63, %add3A_67 : vector<10000x384xf32>
    %reduce_sum3A = arith.constant dense<0.000000e+00> : vector<384xf32>
    %reduce_sum3A_69 = vector.multi_reduction <add>, %add3A_68, %reduce_sum3A [0] : vector<10000x384xf32> to vector<384xf32>
    %broadcast_in_dim3A = vector.shape_cast %reduce_sum3A_69 : vector<384xf32> to vector<1x384xf32>
    %div3A_70 = arith.constant 1.000000e+04 : f32
    %div3A_71 = vector.broadcast %div3A_70 : f32 to vector<1x384xf32>
    %div3A_72 = arith.divf %broadcast_in_dim3A, %div3A_71 : vector<1x384xf32>
    %mul3A = arith.mulf %add3A_68, %add3A_68 : vector<10000x384xf32>
    %reduce_sum3A_73 = arith.constant dense<0.000000e+00> : vector<384xf32>
    %reduce_sum3A_74 = vector.multi_reduction <add>, %mul3A, %reduce_sum3A_73 [0] : vector<10000x384xf32> to vector<384xf32>
    %broadcast_in_dim3A_75 = vector.shape_cast %reduce_sum3A_74 : vector<384xf32> to vector<1x384xf32>
    %div3A_76 = arith.constant 1.000000e+04 : f32
    %div3A_77 = vector.broadcast %div3A_76 : f32 to vector<1x384xf32>
    %div3A_78 = arith.divf %broadcast_in_dim3A_75, %div3A_77 : vector<1x384xf32>
    %mul3A_79 = arith.mulf %div3A_72, %div3A_72 : vector<1x384xf32>
    %sub3A_80 = arith.subf %div3A_78, %mul3A_79 : vector<1x384xf32>
    %get3A_81 = arith.constant 0 : index
    %get3A_82 = arith.constant 0 : index
    %get3A_83 = vector.load %arg8[%get3A_81, %get3A_82] : memref<1x384xf32, #tpu.memory_space<vmem>>, vector<1x384xf32>
    %sub3A_84 = vector.broadcast %div3A_72 : vector<1x384xf32> to vector<10000x384xf32>
    %sub3A_85 = arith.subf %add3A_68, %sub3A_84 : vector<10000x384xf32>
    %mul3A_86 = vector.broadcast %get3A_83 : vector<1x384xf32> to vector<10000x384xf32>
    %mul3A_87 = arith.mulf %mul3A_86, %sub3A_85 : vector<10000x384xf32>
    %add3A_88 = arith.constant 9.99999974E-6 : f32
    %add3A_89 = vector.broadcast %add3A_88 : f32 to vector<1x384xf32>
    %add3A_90 = arith.addf %sub3A_80, %add3A_89 : vector<1x384xf32>
    %rsqrt3A = math.rsqrt %add3A_90 : vector<1x384xf32>
    %mul3A_91 = vector.broadcast %rsqrt3A : vector<1x384xf32> to vector<10000x384xf32>
    %mul3A_92 = arith.mulf %mul3A_87, %mul3A_91 : vector<10000x384xf32>
    %get3A_93 = arith.constant 0 : index
    %get3A_94 = arith.constant 0 : index
    %get3A_95 = vector.load %arg9[%get3A_93, %get3A_94] : memref<1x384xf32, #tpu.memory_space<vmem>>, vector<1x384xf32>
    %add3A_96 = vector.broadcast %get3A_95 : vector<1x384xf32> to vector<10000x384xf32>
    %add3A_97 = arith.addf %mul3A_92, %add3A_96 : vector<10000x384xf32>
    %max3A_98 = arith.constant 0.000000e+00 : f32
    %max3A_99 = vector.broadcast %max3A_98 : f32 to vector<10000x384xf32>
    %max3A_100 = arith.maximumf %add3A_97, %max3A_99 : vector<10000x384xf32>
    %abs3A = math.absf %add3A_97 : vector<10000x384xf32>
    %neg3A = arith.constant 0.000000e+00 : f32
    %neg3A_101 = vector.broadcast %neg3A : f32 to vector<10000x384xf32>
    %neg3A_102 = arith.subf %neg3A_101, %abs3A : vector<10000x384xf32>
    %exp3A = math.exp %neg3A_102 : vector<10000x384xf32>
    %add3A_103 = arith.constant 1.000000e+00 : f32
    %add3A_104 = vector.broadcast %add3A_103 : f32 to vector<10000x384xf32>
    %add3A_105 = arith.addf %add3A_104, %exp3A : vector<10000x384xf32>
    %log3A = math.log %add3A_105 : vector<10000x384xf32>
    %add3A_106 = arith.addf %max3A_100, %log3A : vector<10000x384xf32>
    %get3A_107 = arith.constant 0 : index
    %get3A_108 = arith.constant 0 : index
    %get3A_109 = vector.load %arg10[%get3A_107, %get3A_108] : memref<384x128xf32, #tpu.memory_space<vmem>>, vector<384x128xf32>
    %convert_element_type3A_110 = arith.truncf %add3A_106 : vector<10000x384xf32> to vector<10000x384xbf16>
    %convert_element_type3A_111 = arith.truncf %get3A_109 : vector<384x128xf32> to vector<384x128xbf16>
    %dot_general3A_112 = arith.constant dense<0.000000e+00> : vector<10000x128xf32>
    %dot_general3A_113 = tpu.matmul %convert_element_type3A_110, %convert_element_type3A_111, %dot_general3A_112 {dimension_numbers = #tpu.dot_dimension_numbers<[1], [0], [0], [1], [0, 0, 1, 1], [], []>, transpose_lhs_hint = false} : vector<10000x384xbf16>, vector<384x128xbf16>, vector<10000x128xf32> -> vector<10000x128xf32>
    %get3A_114 = arith.constant 0 : index
    %get3A_115 = arith.constant 0 : index
    %get3A_116 = vector.load %arg11[%get3A_114, %get3A_115] : memref<1x128xf32, #tpu.memory_space<vmem>>, vector<1x128xf32>
    %add3A_117 = vector.broadcast %get3A_116 : vector<1x128xf32> to vector<10000x128xf32>
    %add3A_118 = arith.addf %dot_general3A_113, %add3A_117 : vector<10000x128xf32>
    %reduce_sum3A_119 = arith.constant dense<0.000000e+00> : vector<128xf32>
    %reduce_sum3A_120 = vector.multi_reduction <add>, %add3A_118, %reduce_sum3A_119 [0] : vector<10000x128xf32> to vector<128xf32>
    %broadcast_in_dim3A_121 = vector.shape_cast %reduce_sum3A_120 : vector<128xf32> to vector<1x128xf32>
    %div3A_122 = arith.constant 1.000000e+04 : f32
    %div3A_123 = vector.broadcast %div3A_122 : f32 to vector<1x128xf32>
    %div3A_124 = arith.divf %broadcast_in_dim3A_121, %div3A_123 : vector<1x128xf32>
    %mul3A_125 = arith.mulf %add3A_118, %add3A_118 : vector<10000x128xf32>
    %reduce_sum3A_126 = arith.constant dense<0.000000e+00> : vector<128xf32>
    %reduce_sum3A_127 = vector.multi_reduction <add>, %mul3A_125, %reduce_sum3A_126 [0] : vector<10000x128xf32> to vector<128xf32>
    %broadcast_in_dim3A_128 = vector.shape_cast %reduce_sum3A_127 : vector<128xf32> to vector<1x128xf32>
    %div3A_129 = arith.constant 1.000000e+04 : f32
    %div3A_130 = vector.broadcast %div3A_129 : f32 to vector<1x128xf32>
    %div3A_131 = arith.divf %broadcast_in_dim3A_128, %div3A_130 : vector<1x128xf32>
    %mul3A_132 = arith.mulf %div3A_124, %div3A_124 : vector<1x128xf32>
    %sub3A_133 = arith.subf %div3A_131, %mul3A_132 : vector<1x128xf32>
    %get3A_134 = arith.constant 0 : index
    %get3A_135 = arith.constant 0 : index
    %get3A_136 = vector.load %arg12[%get3A_134, %get3A_135] : memref<1x128xf32, #tpu.memory_space<vmem>>, vector<1x128xf32>
    %sub3A_137 = vector.broadcast %div3A_124 : vector<1x128xf32> to vector<10000x128xf32>
    %sub3A_138 = arith.subf %add3A_118, %sub3A_137 : vector<10000x128xf32>
    %mul3A_139 = vector.broadcast %get3A_136 : vector<1x128xf32> to vector<10000x128xf32>
    %mul3A_140 = arith.mulf %mul3A_139, %sub3A_138 : vector<10000x128xf32>
    %add3A_141 = arith.constant 9.99999974E-6 : f32
    %add3A_142 = vector.broadcast %add3A_141 : f32 to vector<1x128xf32>
    %add3A_143 = arith.addf %sub3A_133, %add3A_142 : vector<1x128xf32>
    %rsqrt3A_144 = math.rsqrt %add3A_143 : vector<1x128xf32>
    %mul3A_145 = vector.broadcast %rsqrt3A_144 : vector<1x128xf32> to vector<10000x128xf32>
    %mul3A_146 = arith.mulf %mul3A_140, %mul3A_145 : vector<10000x128xf32>
    %get3A_147 = arith.constant 0 : index
    %get3A_148 = arith.constant 0 : index
    %get3A_149 = vector.load %arg13[%get3A_147, %get3A_148] : memref<1x128xf32, #tpu.memory_space<vmem>>, vector<1x128xf32>
    %add3A_150 = vector.broadcast %get3A_149 : vector<1x128xf32> to vector<10000x128xf32>
    %add3A_151 = arith.addf %mul3A_146, %add3A_150 : vector<10000x128xf32>
    %max3A_152 = arith.constant 0.000000e+00 : f32
    %max3A_153 = vector.broadcast %max3A_152 : f32 to vector<10000x128xf32>
    %max3A_154 = arith.maximumf %add3A_151, %max3A_153 : vector<10000x128xf32>
    %abs3A_155 = math.absf %add3A_151 : vector<10000x128xf32>
    %neg3A_156 = arith.constant 0.000000e+00 : f32
    %neg3A_157 = vector.broadcast %neg3A_156 : f32 to vector<10000x128xf32>
    %neg3A_158 = arith.subf %neg3A_157, %abs3A_155 : vector<10000x128xf32>
    %exp3A_159 = math.exp %neg3A_158 : vector<10000x128xf32>
    %add3A_160 = arith.constant 1.000000e+00 : f32
    %add3A_161 = vector.broadcast %add3A_160 : f32 to vector<10000x128xf32>
    %add3A_162 = arith.addf %add3A_161, %exp3A_159 : vector<10000x128xf32>
    %log3A_163 = math.log %add3A_162 : vector<10000x128xf32>
    %add3A_164 = arith.addf %max3A_154, %log3A_163 : vector<10000x128xf32>
    %swap3A = arith.constant 0 : index
    %swap3A_165 = arith.constant 0 : index
    %swap3A_166 = vector.load %arg24[%swap3A, %swap3A_165] : memref<10000x128xf32, #tpu.memory_space<vmem>>, vector<10000x128xf32>
    tpu.vector_store %arg24[%swap3A, %swap3A_165], %add3A_164 {strides = array<i32>} : memref<10000x128xf32, #tpu.memory_space<vmem>>, vector<10000x128xf32>,
    %convert_element_type3A_167 = arith.truncf %add3A_164 : vector<10000x128xf32> to vector<10000x128xbf16>
    %dot_general3A_168 = arith.constant dense<0.000000e+00> : vector<16x128xf32>
    %dot_general3A_169 = tpu.matmul %convert_element_type3A_33, %convert_element_type3A_167, %dot_general3A_168 {dimension_numbers = #tpu.dot_dimension_numbers<[0], [0], [1], [1], [0, 1, 1, 1], [], []>, transpose_lhs_hint = false} : vector<10000x16xbf16>, vector<10000x128xbf16>, vector<16x128xf32> -> vector<16x128xf32>
    %mul3A_170 = arith.constant 1.000000e-03 : f32
    %mul3A_171 = vector.broadcast %mul3A_170 : f32 to vector<16x128xf32>
    %mul3A_172 = arith.mulf %dot_general3A_169, %mul3A_171 : vector<16x128xf32>
    %convert_element_type3A_173 = arith.truncf %div3A : vector<10000x128xf32> to vector<10000x128xbf16>
    %dot_general3A_174 = arith.constant dense<0.000000e+00> : vector<16x128xf32>
    %dot_general3A_175 = tpu.matmul %convert_element_type3A_33, %convert_element_type3A_173, %dot_general3A_174 {dimension_numbers = #tpu.dot_dimension_numbers<[0], [0], [1], [1], [0, 1, 1, 1], [], []>, transpose_lhs_hint = false} : vector<10000x16xbf16>, vector<10000x128xbf16>, vector<16x128xf32> -> vector<16x128xf32>
    %mul3A_176 = arith.constant 1.000000e-03 : f32
    %mul3A_177 = vector.broadcast %mul3A_176 : f32 to vector<16x128xf32>
    %mul3A_178 = arith.mulf %dot_general3A_175, %mul3A_177 : vector<16x128xf32>
    %get3A_179 = arith.constant 0 : index
    %get3A_180 = arith.constant 0 : index
    %get3A_181 = vector.load %arg14[%get3A_179, %get3A_180] : memref<128x384xf32, #tpu.memory_space<vmem>>, vector<128x384xf32>
    %convert_element_type3A_182 = arith.truncf %mul3A_172 : vector<16x128xf32> to vector<16x128xbf16>
    %convert_element_type3A_183 = arith.truncf %get3A_181 : vector<128x384xf32> to vector<128x384xbf16>
    %dot_general3A_184 = arith.constant dense<0.000000e+00> : vector<16x384xf32>
    %dot_general3A_185 = tpu.matmul %convert_element_type3A_182, %convert_element_type3A_183, %dot_general3A_184 {dimension_numbers = #tpu.dot_dimension_numbers<[1], [0], [0], [1], [0, 0, 1, 1], [], []>, transpose_lhs_hint = false} : vector<16x128xbf16>, vector<128x384xbf16>, vector<16x384xf32> -> vector<16x384xf32>
    %get3A_186 = arith.constant 0 : index
    %get3A_187 = arith.constant 0 : index
    %get3A_188 = vector.load %arg15[%get3A_186, %get3A_187] : memref<128x384xf32, #tpu.memory_space<vmem>>, vector<128x384xf32>
    %convert_element_type3A_189 = arith.truncf %mul3A_178 : vector<16x128xf32> to vector<16x128xbf16>
    %convert_element_type3A_190 = arith.truncf %get3A_188 : vector<128x384xf32> to vector<128x384xbf16>
    %dot_general3A_191 = arith.constant dense<0.000000e+00> : vector<16x384xf32>
    %dot_general3A_192 = tpu.matmul %convert_element_type3A_189, %convert_element_type3A_190, %dot_general3A_191 {dimension_numbers = #tpu.dot_dimension_numbers<[1], [0], [0], [1], [0, 0, 1, 1], [], []>, transpose_lhs_hint = false} : vector<16x128xbf16>, vector<128x384xbf16>, vector<16x384xf32> -> vector<16x384xf32>
    %add3A_193 = arith.addf %dot_general3A_185, %dot_general3A_192 : vector<16x384xf32>
    %get3A_194 = arith.constant 0 : index
    %get3A_195 = arith.constant 0 : index
    %get3A_196 = vector.load %arg3[%get3A_194, %get3A_195] : memref<16x128xf32, #tpu.memory_space<vmem>>, vector<16x128xf32>
    %get3A_197 = arith.constant 0 : index
    %get3A_198 = arith.constant 0 : index
    %get3A_199 = vector.load %arg16[%get3A_197, %get3A_198] : memref<128x384xf32, #tpu.memory_space<vmem>>, vector<128x384xf32>
    %convert_element_type3A_200 = arith.truncf %get3A_196 : vector<16x128xf32> to vector<16x128xbf16>
    %convert_element_type3A_201 = arith.truncf %get3A_199 : vector<128x384xf32> to vector<128x384xbf16>
    %dot_general3A_202 = arith.constant dense<0.000000e+00> : vector<16x384xf32>
    %dot_general3A_203 = tpu.matmul %convert_element_type3A_200, %convert_element_type3A_201, %dot_general3A_202 {dimension_numbers = #tpu.dot_dimension_numbers<[1], [0], [0], [1], [0, 0, 1, 1], [], []>, transpose_lhs_hint = false} : vector<16x128xbf16>, vector<128x384xbf16>, vector<16x384xf32> -> vector<16x384xf32>
    %add3A_204 = arith.addf %add3A_193, %dot_general3A_203 : vector<16x384xf32>
    %get3A_205 = arith.constant 0 : index
    %get3A_206 = arith.constant 0 : index
    %get3A_207 = vector.load %arg17[%get3A_205, %get3A_206] : memref<1x384xf32, #tpu.memory_space<vmem>>, vector<1x384xf32>
    %add3A_208 = vector.broadcast %get3A_207 : vector<1x384xf32> to vector<16x384xf32>
    %add3A_209 = arith.addf %add3A_204, %add3A_208 : vector<16x384xf32>
    %iota3A_210 = tpu.iota {dimensions = array<i32: 0>} : vector<16x384xi32>
    %lt3A = arith.constant 10 : i32
    %lt3A_211 = vector.broadcast %lt3A : i32 to vector<16x384xi32>
    %lt3A_212 = arith.cmpi slt, %iota3A_210, %lt3A_211 : vector<16x384xi32>
    %convert_element_type3A_213 = arith.extui %lt3A_212 : vector<16x384xi1> to vector<16x384xi32>
    %convert_element_type3A_214 = arith.sitofp %convert_element_type3A_213 : vector<16x384xi32> to vector<16x384xf32>
    %mul3A_215 = arith.mulf %add3A_209, %convert_element_type3A_214 : vector<16x384xf32>
    %reduce_sum3A_216 = arith.constant dense<0.000000e+00> : vector<384xf32>
    %reduce_sum3A_217 = vector.multi_reduction <add>, %mul3A_215, %reduce_sum3A_216 [0] : vector<16x384xf32> to vector<384xf32>
    %broadcast_in_dim3A_218 = vector.shape_cast %reduce_sum3A_217 : vector<384xf32> to vector<1x384xf32>
    %div3A_219 = arith.constant 1.000000e+01 : f32
    %div3A_220 = vector.broadcast %div3A_219 : f32 to vector<1x384xf32>
    %div3A_221 = arith.divf %broadcast_in_dim3A_218, %div3A_220 : vector<1x384xf32>
    %sub3A_222 = vector.broadcast %div3A_221 : vector<1x384xf32> to vector<16x384xf32>
    %sub3A_223 = arith.subf %add3A_209, %sub3A_222 : vector<16x384xf32>
    %sub3A_224 = vector.broadcast %div3A_221 : vector<1x384xf32> to vector<16x384xf32>
    %sub3A_225 = arith.subf %add3A_209, %sub3A_224 : vector<16x384xf32>
    %mul3A_226 = arith.mulf %sub3A_223, %sub3A_225 : vector<16x384xf32>
    %mul3A_227 = arith.mulf %mul3A_226, %convert_element_type3A_214 : vector<16x384xf32>
    %reduce_sum3A_228 = arith.constant dense<0.000000e+00> : vector<384xf32>
    %reduce_sum3A_229 = vector.multi_reduction <add>, %mul3A_227, %reduce_sum3A_228 [0] : vector<16x384xf32> to vector<384xf32>
    %broadcast_in_dim3A_230 = vector.shape_cast %reduce_sum3A_229 : vector<384xf32> to vector<1x384xf32>
    %div3A_231 = arith.constant 1.000000e+01 : f32
    %div3A_232 = vector.broadcast %div3A_231 : f32 to vector<1x384xf32>
    %div3A_233 = arith.divf %broadcast_in_dim3A_230, %div3A_232 : vector<1x384xf32>
    %get3A_234 = arith.constant 0 : index
    %get3A_235 = arith.constant 0 : index
    %get3A_236 = vector.load %arg18[%get3A_234, %get3A_235] : memref<1x384xf32, #tpu.memory_space<vmem>>, vector<1x384xf32>
    %sub3A_237 = vector.broadcast %div3A_221 : vector<1x384xf32> to vector<16x384xf32>
    %sub3A_238 = arith.subf %add3A_209, %sub3A_237 : vector<16x384xf32>
    %mul3A_239 = vector.broadcast %get3A_236 : vector<1x384xf32> to vector<16x384xf32>
    %mul3A_240 = arith.mulf %mul3A_239, %sub3A_238 : vector<16x384xf32>
    %add3A_241 = arith.constant 9.99999974E-6 : f32
    %add3A_242 = vector.broadcast %add3A_241 : f32 to vector<1x384xf32>
    %add3A_243 = arith.addf %div3A_233, %add3A_242 : vector<1x384xf32>
    %rsqrt3A_244 = math.rsqrt %add3A_243 : vector<1x384xf32>
    %mul3A_245 = vector.broadcast %rsqrt3A_244 : vector<1x384xf32> to vector<16x384xf32>
    %mul3A_246 = arith.mulf %mul3A_240, %mul3A_245 : vector<16x384xf32>
    %get3A_247 = arith.constant 0 : index
    %get3A_248 = arith.constant 0 : index
    %get3A_249 = vector.load %arg19[%get3A_247, %get3A_248] : memref<1x384xf32, #tpu.memory_space<vmem>>, vector<1x384xf32>
    %add3A_250 = vector.broadcast %get3A_249 : vector<1x384xf32> to vector<16x384xf32>
    %add3A_251 = arith.addf %mul3A_246, %add3A_250 : vector<16x384xf32>
    %max3A_252 = arith.constant 0.000000e+00 : f32
    %max3A_253 = vector.broadcast %max3A_252 : f32 to vector<16x384xf32>
    %max3A_254 = arith.maximumf %add3A_251, %max3A_253 : vector<16x384xf32>
    %abs3A_255 = math.absf %add3A_251 : vector<16x384xf32>
    %neg3A_256 = arith.constant 0.000000e+00 : f32
    %neg3A_257 = vector.broadcast %neg3A_256 : f32 to vector<16x384xf32>
    %neg3A_258 = arith.subf %neg3A_257, %abs3A_255 : vector<16x384xf32>
    %exp3A_259 = math.exp %neg3A_258 : vector<16x384xf32>
    %add3A_260 = arith.constant 1.000000e+00 : f32
    %add3A_261 = vector.broadcast %add3A_260 : f32 to vector<16x384xf32>
    %add3A_262 = arith.addf %add3A_261, %exp3A_259 : vector<16x384xf32>
    %log3A_263 = math.log %add3A_262 : vector<16x384xf32>
    %add3A_264 = arith.addf %max3A_254, %log3A_263 : vector<16x384xf32>
    %get3A_265 = arith.constant 0 : index
    %get3A_266 = arith.constant 0 : index
    %get3A_267 = vector.load %arg20[%get3A_265, %get3A_266] : memref<384x128xf32, #tpu.memory_space<vmem>>, vector<384x128xf32>
    %convert_element_type3A_268 = arith.truncf %add3A_264 : vector<16x384xf32> to vector<16x384xbf16>
    %convert_element_type3A_269 = arith.truncf %get3A_267 : vector<384x128xf32> to vector<384x128xbf16>
    %dot_general3A_270 = arith.constant dense<0.000000e+00> : vector<16x128xf32>
    %dot_general3A_271 = tpu.matmul %convert_element_type3A_268, %convert_element_type3A_269, %dot_general3A_270 {dimension_numbers = #tpu.dot_dimension_numbers<[1], [0], [0], [1], [0, 0, 1, 1], [], []>, transpose_lhs_hint = false} : vector<16x384xbf16>, vector<384x128xbf16>, vector<16x128xf32> -> vector<16x128xf32>
    %get3A_272 = arith.constant 0 : index
    %get3A_273 = arith.constant 0 : index
    %get3A_274 = vector.load %arg21[%get3A_272, %get3A_273] : memref<1x128xf32, #tpu.memory_space<vmem>>, vector<1x128xf32>
    %add3A_275 = vector.broadcast %get3A_274 : vector<1x128xf32> to vector<16x128xf32>
    %add3A_276 = arith.addf %dot_general3A_271, %add3A_275 : vector<16x128xf32>
    %iota3A_277 = tpu.iota {dimensions = array<i32: 0>} : vector<16x128xi32>
    %lt3A_278 = arith.constant 10 : i32
    %lt3A_279 = vector.broadcast %lt3A_278 : i32 to vector<16x128xi32>
    %lt3A_280 = arith.cmpi slt, %iota3A_277, %lt3A_279 : vector<16x128xi32>
    %convert_element_type3A_281 = arith.extui %lt3A_280 : vector<16x128xi1> to vector<16x128xi32>
    %convert_element_type3A_282 = arith.sitofp %convert_element_type3A_281 : vector<16x128xi32> to vector<16x128xf32>
    %mul3A_283 = arith.mulf %add3A_276, %convert_element_type3A_282 : vector<16x128xf32>
    %reduce_sum3A_284 = arith.constant dense<0.000000e+00> : vector<128xf32>
    %reduce_sum3A_285 = vector.multi_reduction <add>, %mul3A_283, %reduce_sum3A_284 [0] : vector<16x128xf32> to vector<128xf32>
    %broadcast_in_dim3A_286 = vector.shape_cast %reduce_sum3A_285 : vector<128xf32> to vector<1x128xf32>
    %div3A_287 = arith.constant 1.000000e+01 : f32
    %div3A_288 = vector.broadcast %div3A_287 : f32 to vector<1x128xf32>
    %div3A_289 = arith.divf %broadcast_in_dim3A_286, %div3A_288 : vector<1x128xf32>
    %sub3A_290 = vector.broadcast %div3A_289 : vector<1x128xf32> to vector<16x128xf32>
    %sub3A_291 = arith.subf %add3A_276, %sub3A_290 : vector<16x128xf32>
    %sub3A_292 = vector.broadcast %div3A_289 : vector<1x128xf32> to vector<16x128xf32>
    %sub3A_293 = arith.subf %add3A_276, %sub3A_292 : vector<16x128xf32>
    %mul3A_294 = arith.mulf %sub3A_291, %sub3A_293 : vector<16x128xf32>
    %mul3A_295 = arith.mulf %mul3A_294, %convert_element_type3A_282 : vector<16x128xf32>
    %reduce_sum3A_296 = arith.constant dense<0.000000e+00> : vector<128xf32>
    %reduce_sum3A_297 = vector.multi_reduction <add>, %mul3A_295, %reduce_sum3A_296 [0] : vector<16x128xf32> to vector<128xf32>
    %broadcast_in_dim3A_298 = vector.shape_cast %reduce_sum3A_297 : vector<128xf32> to vector<1x128xf32>
    %div3A_299 = arith.constant 1.000000e+01 : f32
    %div3A_300 = vector.broadcast %div3A_299 : f32 to vector<1x128xf32>
    %div3A_301 = arith.divf %broadcast_in_dim3A_298, %div3A_300 : vector<1x128xf32>
    %get3A_302 = arith.constant 0 : index
    %get3A_303 = arith.constant 0 : index
    %get3A_304 = vector.load %arg22[%get3A_302, %get3A_303] : memref<1x128xf32, #tpu.memory_space<vmem>>, vector<1x128xf32>
    %sub3A_305 = vector.broadcast %div3A_289 : vector<1x128xf32> to vector<16x128xf32>
    %sub3A_306 = arith.subf %add3A_276, %sub3A_305 : vector<16x128xf32>
    %mul3A_307 = vector.broadcast %get3A_304 : vector<1x128xf32> to vector<16x128xf32>
    %mul3A_308 = arith.mulf %mul3A_307, %sub3A_306 : vector<16x128xf32>
    %add3A_309 = arith.constant 9.99999974E-6 : f32
    %add3A_310 = vector.broadcast %add3A_309 : f32 to vector<1x128xf32>
    %add3A_311 = arith.addf %div3A_301, %add3A_310 : vector<1x128xf32>
    %rsqrt3A_312 = math.rsqrt %add3A_311 : vector<1x128xf32>
    %mul3A_313 = vector.broadcast %rsqrt3A_312 : vector<1x128xf32> to vector<16x128xf32>
    %mul3A_314 = arith.mulf %mul3A_308, %mul3A_313 : vector<16x128xf32>
    %get3A_315 = arith.constant 0 : index
    %get3A_316 = arith.constant 0 : index
    %get3A_317 = vector.load %arg23[%get3A_315, %get3A_316] : memref<1x128xf32, #tpu.memory_space<vmem>>, vector<1x128xf32>
    %add3A_318 = vector.broadcast %get3A_317 : vector<1x128xf32> to vector<16x128xf32>
    %add3A_319 = arith.addf %mul3A_314, %add3A_318 : vector<16x128xf32>
    %max3A_320 = arith.constant 0.000000e+00 : f32
    %max3A_321 = vector.broadcast %max3A_320 : f32 to vector<16x128xf32>
    %max3A_322 = arith.maximumf %add3A_319, %max3A_321 : vector<16x128xf32>
    %abs3A_323 = math.absf %add3A_319 : vector<16x128xf32>
    %neg3A_324 = arith.constant 0.000000e+00 : f32
    %neg3A_325 = vector.broadcast %neg3A_324 : f32 to vector<16x128xf32>
    %neg3A_326 = arith.subf %neg3A_325, %abs3A_323 : vector<16x128xf32>
    %exp3A_327 = math.exp %neg3A_326 : vector<16x128xf32>
    %add3A_328 = arith.constant 1.000000e+00 : f32
    %add3A_329 = vector.broadcast %add3A_328 : f32 to vector<16x128xf32>
    %add3A_330 = arith.addf %add3A_329, %exp3A_327 : vector<16x128xf32>
    %log3A_331 = math.log %add3A_330 : vector<16x128xf32>
    %add3A_332 = arith.addf %max3A_322, %log3A_331 : vector<16x128xf32>
    %swap3A_333 = arith.constant 0 : index
    %swap3A_334 = arith.constant 0 : index
    %swap3A_335 = vector.load %arg25[%swap3A_333, %swap3A_334] : memref<16x128xf32, #tpu.memory_space<vmem>>, vector<16x128xf32>
    tpu.vector_store %arg25[%swap3A_333, %swap3A_334], %add3A_332 {strides = array<i32>} : memref<16x128xf32, #tpu.memory_space<vmem>>, vector<16x128xf32>,
    return
  }
}

</mosaic_0001>

<sc_bundles>
// kernel: kernel.7.cloned.1.call-start
scs
__scs_entry_jumppad:
0x0: {  	(pc) =	sbr.rel $0x88, $3  }
0x1: {  	(tag) =	ssettag $0x0;
	lr =	simm.s32 $0x1  }
0x2: {  	[smem:$0x3F84] =	sst lr;
	_ =	strace $0xD0000000  }
0x3: {  	_ = 	snop  }
0x4: {  	_ = 	snop  }
0x5: {  	_ = 	snop  }
0x6: {  	_ = 	snop  }
0x7: {  	_ = 	snop  }
__scs_overlays_trampoline_lowered:
0x8: {  	[smem:$0x3F93] =	sst s0  }
0x9: {  	[smem:$0x3F94] =	sst s1  }
0xa: {  	[smem:$0x3F95] =	sst s2  }
0xb: {  	[smem:$0x3F96] =	sst s3  }
0xc: {  	[smem:$0x3F97] =	sst s4  }
0xd: {  	[smem:$0x3F98] =	sst s5  }
0xe: {  	[smem:$0x3F99] =	sst s6  }
0xf: {  	[smem:$0x3F9A] =	sst s7  }
0x10: {  	[smem:$0x3F9B] =	sst s8  }
0x11: {  	[smem:$0x3F9C] =	sst s9;
	s0 =	simm.s32 @!p0 $0x0  }
0x12: {  	s1 =	sld [smem:$0x3F82];
	s0 =	simm.s32 @p0 $0x1  }
0x13: {  	[smem:$0x3F9D] =	sst s0;
	s0 =	simm.s32 @!p1 $0x0  }
0x14: {  	s2 =	sld [smem:$0x3F81];
	s0 =	simm.s32 @p1 $0x1  }
0x15: {  	[smem:$0x3F9E] =	sst s0;
	s0 =	simm.s32 @!p2 $0x0  }
0x16: {  	s3 =	sld [smem:$0x3FDB];
	s0 =	simm.s32 @p2 $0x1  }
0x17: {  	s4 =	simm.s32 $0x1BF5;
	[smem:$0x3FA0] =	sst s0  }
0x18: {  	s0 =	sld [smem:$0x3F83];
	_ =	swait.ge [sflag:s4], $0x0  }
0x19: {  	s7 =	sld [smem:$0x3F84]  }
0x1a: {  	s8 =	sadd.s32 $0xFFFFE003, lr  }
0x1b: {  	s9 =	sadd.s32 $0xFFFFFEF7, lr;
	s5 =	simm.s32 $0xFFFFFFFF;
	p2 =	slt.u32 s8, $0xFFFFF086  }
0x1c: {  	p1 =	slt.u32 s9, $0xF7A;
	s5 =	simm.s32 @!p2 $0x0  }
0x1d: {  	s5 =	simm.s32 @p1 $0x1;
	p0 =	seq.s32 s7, s2  }
0x1e: {  	s7 =	smul.u32 @!p0 $0xF7A, s2;
	p2 =	seq.s32 @!p0 s5, $0x0  }
0x1f: {  	s9 =	smul.u32 $0xF7A, s1;
	s8 =	simm.s32 @!p0 $0x1BF5;
	p2 =	por !p2, p0  }
0x20: {  	[sflag:s8] =	ssyncset.s32 @!p0 $0xFFFFF086;
	s6 =	sadd.s32 @!p0 s3, s7;
	s7 =	simm.s32 @!p0 $0x108  }
0x21: {  	s3 =	sadd.s32 s3, s9;
	s6 =	sadd.s32 @!p0 $0x88, s6;
	s7 =	simm.s32 @p2 $0x1082  }
0x22: {  	[simem:s7], [sflag:s8] =	dma.local @!p0 [hbm:s6], $0xF7A  }
0x23: {  	s9 =	sor.u32 $0xD0000000, s2;
	s6 =	simm.s32 $0x108;
	_ =	swait.ge @!p0 [sflag:s8], $0x0  }
0x24: {  	s3 =	sadd.s32 $0x88, s3;
	s6 =	simm.s32 @!p1 $0x1082;
	[sflag:s4] =	ssyncset.s32 $0xFFFFF086  }
0x25: {  	[simem:s6], [sflag:s4] =	dma.local [hbm:s3], $0xF7A  }
0x26: {  	[smem:$0x3F84] =	sst s1;
	(tag) =	ssettag s2;
	_ =	strace s9  }
0x27: {  	s1 =	sld [smem:$0x3F94]  }
0x28: {  	s2 =	sld [smem:$0x3F95]  }
0x29: {  	s4 =	sld [smem:$0x3F97]  }
0x2a: {  	p0 =	seq.s32 s5, $0x0;
	s5 =	sld [smem:$0x3F98]  }
0x2b: {  	s6 =	sld [smem:$0x3F99]  }
0x2c: {  	s7 =	sld [smem:$0x3F9A]  }
0x2d: {  	s3 =	simm.s32 $0x108;
	s8 =	sld [smem:$0x3F9B]  }
0x2e: {  	s3 =	simm.s32 @!p0 $0x1082;
	s9 =	sld [smem:$0x3F9C]  }
0x2f: {  	lr =	sadd.s32 s0, s3;
	s0 =	sld [smem:$0x3F93]  }
0x30: {  	s3 =	sld [smem:$0x3F96]  }
0x31: {  	[smem:$0x3F9F] =	sst s10  }
0x32: {  	s10 =	sld [smem:$0x3F9D];
	_ =	sdelay $0x3  }
0x33: {  	p0 =	seq.s32 s10, $0x1;
	s10 =	sld [smem:$0x3F9F];
	_ =	sdelay $0x3  }
0x34: {  	[smem:$0x3F9F] =	sst s10  }
0x35: {  	s10 =	sld [smem:$0x3F9E];
	_ =	sdelay $0x3  }
0x36: {  	p1 =	seq.s32 s10, $0x1;
	s10 =	sld [smem:$0x3F9F];
	_ =	sdelay $0x3  }
0x37: {  	[smem:$0x3F9F] =	sst s10  }
0x38: {  	s10 =	sld [smem:$0x3FA0]  }
0x39: {  	_ = 	snop;
	(pc) =	sbr.ind lr, $3  }
0x3a: {  	_ = 	snop  }
0x3b: {  	_ = 	snop  }
0x3c: {  	p2 =	seq.s32 s10, $0x1;
	s10 =	sld [smem:$0x3F9F]  }
0x3d: {  	_ =	shalt  }
0x3e: {  	_ =	shalt  }
0x3f: {  	_ =	shalt  }
0x40: {  	_ =	shalt  }
0x41: {  	_ =	shalt  }
0x42: {  	_ =	shalt  }
0x43: {  	_ =	shalt  }
0x44: {  	_ =	shalt  }
0x45: {  	_ =	shalt  }
0x46: {  	_ =	shalt  }
0x47: {  	_ =	shalt  }
0x48: {  	_ =	shalt  }
0x49: {  	_ =	shalt  }
0x4a: {  	_ =	shalt  }
0x4b: {  	_ =	shalt  }
0x4c: {  	_ =	shalt  }
0x4d: {  	_ =	shalt  }
0x4e: {  	_ =	shalt  }
0x4f: {  	_ =	shalt  }
0x50: {  	_ =	shalt  }
0x51: {  	_ =	shalt  }
0x52: {  	_ =	shalt  }
0x53: {  	_ =	shalt  }
0x54: {  	_ =	shalt  }
0x55: {  	_ =	shalt  }
0x56: {  	_ =	shalt  }
0x57: {  	_ =	shalt  }
0x58: {  	_ =	shalt  }
0x59: {  	_ =	shalt  }
0x5a: {  	_ =	shalt  }
0x5b: {  	_ =	shalt  }
0x5c: {  	_ =	shalt  }
0x5d: {  	_ =	shalt  }
0x5e: {  	_ =	shalt  }
0x5f: {  	_ =	shalt  }
0x60: {  	_ =	shalt  }
0x61: {  	_ =	shalt  }
0x62: {  	_ =	shalt  }
0x63: {  	_ =	shalt  }
0x64: {  	_ =	shalt  }
0x65: {  	_ =	shalt  }
0x66: {  	_ =	shalt  }
0x67: {  	_ =	shalt  }
0x68: {  	_ =	shalt  }
0x69: {  	_ =	shalt  }
0x6a: {  	_ =	shalt  }
0x6b: {  	_ =	shalt  }
0x6c: {  	_ =	shalt  }
0x6d: {  	_ =	shalt  }
0x6e: {  	_ =	shalt  }
0x6f: {  	_ =	shalt  }
0x70: {  	_ =	shalt  }
0x71: {  	_ =	shalt  }
0x72: {  	_ =	shalt  }
0x73: {  	_ =	shalt  }
0x74: {  	_ =	shalt  }
0x75: {  	_ =	shalt  }
0x76: {  	_ =	shalt  }
0x77: {  	_ =	shalt  }
0x78: {  	_ =	shalt  }
0x79: {  	_ =	shalt  }
0x7a: {  	_ =	shalt  }
0x7b: {  	_ =	shalt  }
0x7c: {  	_ =	shalt  }
0x7d: {  	_ =	shalt  }
0x7e: {  	_ =	shalt  }
0x7f: {  	_ =	shalt  }
0x80: {  	_ =	shalt  }
0x81: {  	_ =	shalt  }
0x82: {  	_ =	shalt  }
0x83: {  	_ =	shalt  }
0x84: {  	_ =	shalt  }
0x85: {  	_ =	shalt  }
0x86: {  	_ =	shalt  }
0x87: {  	_ =	shalt  }
.Lfunc_end0:
.L_simem_size_0:
called_computation_lowered:
.L_overlay_start_0:
0x88: {  	s2 =	sld [smem:$0x3FD9]  }
0x89: {  	s3 =	sld [smem:$0x3FFE];
	_ =	sdelay $0x1  }
0x8a: {  	s1 =	srdreg.scid  }
0x8b: {  	s0 =	sand.u32 $0x1, s1  }
0x8c: {  	s17 =	sshll.u32 s0, $0xA;
	s2 =	sadd.s32 s3, s2  }
0x8d: {  	s2 =	sadd.s32 s2, s17  }
0x8e: {  	[smem:$0x3FAB] =	sst s2  }
0x8f: {  	_ = 	snop  }
0x90: {  	s2 =	sld [smem:$0x3FC9]  }
0x91: {  	s18 =	sld [smem:$0x3FAE]  }
0x92: {  	s4 =	sld [smem:$0x3FAD];
	(tm) =	ssettm $0x1  }
0x93: {  	s5 =	sld [smem:$0x3FFB];
	_ =	sdelay $0x3  }
0x94: {  	_ =	strace s5  }
0x95: {  	s5 =	sld [smem:$0x3FFC];
	_ =	sdelay $0x3  }
0x96: {  	_ =	strace s5  }
0x97: {  	s5 =	sld [smem:$0x3FFD];
	_ =	sdelay $0x3  }
0x98: {  	_ =	strace s5  }
0x99: {  	_ =	strace $0x8FFFFFFF  }
0x9a: {  	s19 =	sld [smem:$0x3FDB];
	_ =	sdelay $0x1  }
0x9b: {  	s6 =	simm.s32 $_scs_section_size  }
0x9c: {  	s7 =	simm.s32 $_size__tile_overlayer_lowered;
	s8 =	simm.s32 $_tile_overlayer_lowered  }
0x9d: {  	s22 =	simm.s32 $0x1BFF;
	s21 =	sshll.u32 s8, $0x1;
	s5 =	sadd.s32 s6, s19  }
0x9e: {  	s9 =	simm.s32 $0x0;
	s20 =	sshll.u32 s7, $0x1;
	s7 =	sadd.s32 s21, s5  }
0x9f: {  	[timem:s9], [sflag:s22] =	dma.local [hbm:s7], s20  }
0xa0: {  	_ =	swait.ge [sflag:s22], s20  }
0xa1: {  	s6 =	ssub.s32 $0x0, s20;
	[sflag:s22] =	ssyncset.done $0x0  }
0xa2: {  	[sflag:s22] =	ssyncadd.s32 s6;
	_ =	sdelay $0x1  }
0xa3: {  	s23 =	simm.s32 $0x1B8B  }
0xa4: {  	_ =	swait.ge [sflag:s23], $0x1  }
0xa5: {  	[sflag:s23] =	ssyncset.done $0x0  }
0xa6: {  	s25 =	simm.s32 $0x1B8E;
	s24 =	sld [smem:$0x3FFE];
	[sflag:s23] =	ssyncadd.s32 $0xFFFFFFFF  }
0xa7: {  	s26 =	simm.s32 $execute0_lowered;
	[smem:$0x3FD2] =	sst s25  }
0xa8: {  	s7 =	sshll.u32 s26, $0x1;
	_ =	strace $0x80000046;
	[dreg:$0x1] =	wrdreg $0xFFFFFFFF  }
0xa9: {  	s28 =	simm.s32 $_size_execute0_lowered;
	s5 =	sadd.s32 s5, s7;
	[dreg:$0x0] =	wrdreg $0x0  }
0xaa: {  	s7 =	sshll.u32 s28, $0x1;
	[dreg:$0x2] =	wrdreg s5  }
0xab: {  	[dreg:$0x3] =	wrdreg s7  }
0xac: {  	[dreg:$0x4] =	wrdreg $0xC0  }
0xad: {  	_ =	task [dreg:s9], $0x5FFFF  }
0xae: {  	[dreg:$0x1] =	wrdreg $0xFFFFFFFF  }
0xaf: {  	[dreg:$0x0] =	wrdreg $0x60  }
0xb0: {  	[dreg:$0x2] =	wrdreg s2  }
0xb1: {  	[dreg:$0x3] =	wrdreg s18  }
0xb2: {  	[dreg:$0x4] =	wrdreg s4  }
0xb3: {  	[dreg:$0x5] =	wrdreg s24  }
0xb4: {  	[dreg:$0x6] =	wrdreg $0x9  }
0xb5: {  	_ =	task.clear_ibuf [dreg:s9], $0x7FFFF;
	_ =	strace $0x90000046  }
0xb6: {  	s29 =	simm.s32 $0x9;
	_ =	strace $0x80000048  }
0xb7: {  	_ =	swait.ge [sflag:s29], $0x1  }
0xb8: {  	[sflag:s29] =	ssyncadd.s32 $0xFFFFFFFF  }
0xb9: {  	_ =	strace $0x90000048  }
0xba: {  	_ =	sfence  }
0xbb: {  	s30 =	sld [smem:$0x0];
	_ =	sdelay $0x2  }
0xbc: {  	s31 =	sshll.u32 s1, $0xD;
	s1 =	sshrl.u32 s1, $0x2  }
0xbd: {  	s3 =	sand.u32 $0x4000, s31;
	s1 =	sadd.s32 s1, s30  }
0xbe: {  	s0 =	sor.u32 s3, s0;
	s1 =	sshll.u32 s1, $0x11  }
0xbf: {  	s0 =	sor.u32 s1, s0  }
0xc0: {  	s0 =	sadd.s32 $0x8F2B, s0  }
0xc1: {  	[sflag:s0] =	ssyncadd.remote.s32 $0x1  }
0xc2: {  	_ =	sfence.sel $0xFFFF  }
0xc3: {  	[dreg:$0x0] =	wrdreg $0xFFFFFFFF;
	(pc) =	sbr.abs _section_cstart, $3  }
0xc4: {  	[dreg:$0x1] =	wrdreg $0xFFFFFFFF  }
0xc5: {  	_ =	task.clear_ibuf [dreg:s9], $0x2FFFF;
	_ =	strace $0x9FFFFFFF  }
0xc6: {  	(tm) =	ssettm $0x7FFFFFFF  }
0xc7: {  	_ =	shalt  }
tec
execute0_lowered:
.L_overlay_start_1:
0x0: {  	(tag) =	ssettag $0x1  }
0x1: {  	s1 =	rddreg [dreg:$0x0]  }
0x2: {  	s2 =	rddreg [dreg:$0x1]  }
0x3: {  	s4 =	rddreg [dreg:$0x2]  }
0x4: {  	s3 =	srdreg.scid;
	s0 =	stileid.u32  }
0x5: {  	s6 =	rddreg [dreg:$0x3];
	s5 =	simm.s32 $0x0;
	s16 =	simm.s32 $0x200  }
0x6: {  	s17 =	simm.s32 $0xCC00;
	s18 =	simm.s32 $0x400;
	s19 =	simm.s32 $0x800  }
0x7: {  	s20 =	simm.s32 $0x3;
	s21 =	simm.s32 $0x4;
	s22 =	simm.s32 $0x190  }
0x8: {  	s23 =	simm.s32 $0x0;
	s9 =	sand.u32 $0x1, s3;
	s29 =	smul.u32 $0x9C400, s0  }
0x9: {  	s7 =	sshll.u32 s0, $0x1;
	s3 =	rddreg [dreg:$0x4];
	s15 =	smul.u32 $0x4E20, s0  }
0xa: {  	[smem:$0x7FF] =	sst s5;
	s13 =	sadd.s32 $0x6800, s6;
	s30 =	smul.u32 $0x4E200, s9  }
0xb: {  	s7 =	sor.u32 s9, s7;
	s8 =	ssub.s32 $0x2, s9;
	s31 =	smul.u32 $0x2710, s9  }
0xc: {  	_ =	strace $0x80000047;
	s10 =	smul.u32 $0x2710, s7;
	s11 =	sshrl.u32 s8, $0x1  }
0xd: {  	s12 =	smul.u32 $0x4E200, s7;
	s14 =	sadd.s32 s29, s13;
	s28 =	ssub.s32 s8, s11  }
0xe: {  	s11 =	sadd.s32 s30, s14;
	s14 =	simm.s32 $0x1;
	s6 =	smax.u32 s28, $0x1  }
0xf: {  	s10 =	sshrl.u32 s10, $0x3;
	s8 =	sadd.s32 s13, s12;
	s11 =	sadd.s32 $0x3280, s11  }
0x10: {  	s12 =	sadd.s32 s31, s15;
	s13 =	simm.s32 $0xCA00;
	s15 =	simm.s32 $0x2  }
0x11: {  	s7 =	sadd.s32 s2, s10;
	s9 =	sadd.s32 s4, s10;
	s10 =	sadd.s32 $0x80, s8  }
.LBB2_1:
0x12: {  	[tilespmem:s5], [sflag:$0x1] =	stream.linear.gather [hbm4b:s7+s5], $0x190, $0x38;
	[tilespmem:$0x19400] =	vst v63  }
0x13: {  	_ = 	snop  }
0x14: {  	[tilespmem:s13], [sflag:$0x2] =	stream.linear.gather [hbm4b:s9+s5], $0x190, $0x38;
	[tilespmem:$0x19400] =	vst v63  }
0x15: {  	_ =	swait.ge [sflag:s14], $0x190  }
0x16: {  	[sflag:s14] =	ssyncset.done $0x0  }
0x17: {  	[sflag:s14] =	ssyncadd.s32 $0xFFFFFE70  }
0x18: {  	_ =	swait.ge [sflag:s15], $0x190  }
0x19: {  	[sflag:s15] =	ssyncset.done $0x0  }
0x1a: {  	[sflag:s15] =	ssyncadd.s32 $0xFFFFFE70  }
0x1b: {  	[tilespmem:s16], [sflag:$0x1] =	stream.indirect.gather [hbm4b:s1+s22], $0x80, s5, s22, $0xb8;
	[tilespmem:$0x19400] =	vst v63  }
0x1c: {  	_ = 	snop  }
0x1d: {  	[tilespmem:s17], [sflag:$0x2] =	stream.indirect.gather [hbm4b:s1+s22], $0x80, s13, s22, $0xb8;
	[tilespmem:$0x19400] =	vst v63  }
0x1e: {  	_ =	swait.ge [sflag:s14], $0xC800  }
0x1f: {  	[sflag:s14] =	ssyncset.done $0x0  }
0x20: {  	[sflag:s14] =	ssyncadd.s32 $0xFFFF3800  }
0x21: {  	_ =	swait.ge [sflag:s15], $0xC800  }
0x22: {  	[sflag:s15] =	ssyncset.done $0x0  }
0x23: {  	s24 =	sadd.s32 $0x190, s12;
	[sflag:s15] =	ssyncadd.s32 $0xFFFF3800  }
0x24: {  	[hbm4b:s8+s18] =	stream.strided.scatter [tilespmem:s16], [sflag:$0x3], $0xC800, s19, s18, $0x38;
	[tilespmem:$0x19400] =	vst v63  }
0x25: {  	s24 =	sshrl.u32 s24, $0x3  }
0x26: {  	[hbm4b:s10+s18] =	stream.strided.scatter [tilespmem:s17], [sflag:$0x4], $0xC800, s19, s18, $0x38;
	[tilespmem:$0x19400] =	vst v63  }
0x27: {  	s25 =	sadd.s32 s2, s24  }
0x28: {  	[tilespmem:s5], [sflag:$0x1] =	stream.linear.gather [hbm4b:s25+s5], $0x190, $0x38;
	[tilespmem:$0x19400] =	vst v63  }
0x29: {  	s24 =	sadd.s32 s4, s24  }
0x2a: {  	[tilespmem:s13], [sflag:$0x2] =	stream.linear.gather [hbm4b:s24+s5], $0x190, $0x38;
	[tilespmem:$0x19400] =	vst v63  }
0x2b: {  	_ =	swait.ge [sflag:s14], $0x190  }
0x2c: {  	[sflag:s14] =	ssyncset.done $0x0  }
0x2d: {  	[sflag:s14] =	ssyncadd.s32 $0xFFFFFE70  }
0x2e: {  	_ =	swait.ge [sflag:s15], $0x190  }
0x2f: {  	[sflag:s15] =	ssyncset.done $0x0  }
0x30: {  	[sflag:s15] =	ssyncadd.s32 $0xFFFFFE70  }
0x31: {  	_ =	swait.ge [sflag:s20], $0xC800  }
0x32: {  	[sflag:s20] =	ssyncset.done $0x0  }
0x33: {  	[sflag:s20] =	ssyncadd.s32 $0xFFFF3800  }
0x34: {  	_ =	swait.ge [sflag:s21], $0xC800  }
0x35: {  	[sflag:s21] =	ssyncset.done $0x0  }
0x36: {  	[sflag:s21] =	ssyncadd.s32 $0xFFFF3800  }
0x37: {  	[tilespmem:s16], [sflag:$0x1] =	stream.indirect.gather [hbm4b:s1+s22], $0x80, s5, s22, $0xb8;
	[tilespmem:$0x19400] =	vst v63  }
0x38: {  	_ = 	snop  }
0x39: {  	[tilespmem:s17], [sflag:$0x2] =	stream.indirect.gather [hbm4b:s1+s22], $0x80, s13, s22, $0xb8;
	[tilespmem:$0x19400] =	vst v63  }
0x3a: {  	_ =	swait.ge [sflag:s14], $0xC800  }
0x3b: {  	[sflag:s14] =	ssyncset.done $0x0  }
0x3c: {  	[sflag:s14] =	ssyncadd.s32 $0xFFFF3800  }
0x3d: {  	s31 =	sadd.s32 $0xFFFFFF80, s11;
	_ =	swait.ge [sflag:s15], $0xC800  }
0x3e: {  	s26 =	simm.s32 $0x4B0;
	s28 =	sadd.s32 $0x320, s12;
	[sflag:s15] =	ssyncset.done $0x0  }
0x3f: {  	s25 =	smov.u32 s11;
	s24 =	smov.u32 s11;
	[sflag:s15] =	ssyncadd.s32 $0xFFFF3800  }
0x40: {  	[hbm4b:s31+s18] =	stream.strided.scatter [tilespmem:s16], [sflag:$0x3], $0xC800, s19, s18, $0x38;
	[tilespmem:$0x19400] =	vst v63  }
.LBB2_2:
0x41: {  	s28 =	sshrl.u32 s28, $0x3  }
0x42: {  	s24 =	sadd.s32 $0x3200, s24;
	s29 =	smov.u32 s26;
	s30 =	sadd.s32 $0x190, s26  }
0x43: {  	[hbm4b:s25+s18] =	stream.strided.scatter [tilespmem:s17], [sflag:$0x4], $0xC800, s19, s18, $0x38;
	[tilespmem:$0x19400] =	vst v63  }
0x44: {  	p0 =	sne.s32 s26, $0x2580;
	s26 =	sadd.s32 s2, s28;
	s25 =	smov.u32 s24  }
0x45: {  	[tilespmem:s5], [sflag:$0x1] =	stream.linear.gather [hbm4b:s26+s5], $0x190, $0x38;
	[tilespmem:$0x19400] =	vst v63  }
0x46: {  	s26 =	sadd.s32 s4, s28  }
0x47: {  	[tilespmem:s13], [sflag:$0x2] =	stream.linear.gather [hbm4b:s26+s5], $0x190, $0x38;
	[tilespmem:$0x19400] =	vst v63  }
0x48: {  	_ =	swait.ge [sflag:s14], $0x190  }
0x49: {  	[sflag:s14] =	ssyncset.done $0x0  }
0x4a: {  	[sflag:s14] =	ssyncadd.s32 $0xFFFFFE70  }
0x4b: {  	_ =	swait.ge [sflag:s15], $0x190  }
0x4c: {  	[sflag:s15] =	ssyncset.done $0x0  }
0x4d: {  	[sflag:s15] =	ssyncadd.s32 $0xFFFFFE70  }
0x4e: {  	_ =	swait.ge [sflag:s20], $0xC800  }
0x4f: {  	[sflag:s20] =	ssyncset.done $0x0  }
0x50: {  	[sflag:s20] =	ssyncadd.s32 $0xFFFF3800  }
0x51: {  	_ =	swait.ge [sflag:s21], $0xC800  }
0x52: {  	[sflag:s21] =	ssyncset.done $0x0  }
0x53: {  	[sflag:s21] =	ssyncadd.s32 $0xFFFF3800  }
0x54: {  	[tilespmem:s16], [sflag:$0x1] =	stream.indirect.gather [hbm4b:s1+s22], $0x80, s5, s22, $0xb8;
	[tilespmem:$0x19400] =	vst v63  }
0x55: {  	_ = 	snop  }
0x56: {  	[tilespmem:s17], [sflag:$0x2] =	stream.indirect.gather [hbm4b:s1+s22], $0x80, s13, s22, $0xb8;
	[tilespmem:$0x19400] =	vst v63  }
0x57: {  	_ =	swait.ge [sflag:s14], $0xC800  }
0x58: {  	[sflag:s14] =	ssyncset.done $0x0  }
0x59: {  	[sflag:s14] =	ssyncadd.s32 $0xFFFF3800  }
.Ltmp0:
0x5a: {  	_ =	swait.ge [sflag:s15], $0xC800;
	(pc) =	sbr.rel @p0 .LBB2_2-.Ltmp0, $4  }
0x5b: {  	[sflag:s15] =	ssyncset.done $0x0  }
0x5c: {  	s28 =	sadd.s32 s29, s12;
	s26 =	sadd.s32 $0xFFFFFF80, s24;
	[sflag:s15] =	ssyncadd.s32 $0xFFFF3800  }
0x5d: {  	[hbm4b:s26+s18] =	stream.strided.scatter [tilespmem:s16], [sflag:$0x3], $0xC800, s19, s18, $0x38;
	[tilespmem:$0x19400] =	vst v63  }
0x5e: {  	s26 =	smov.u32 s30  }
0x5f: {  	s26 =	sshrl.u32 s28, $0x3  }
0x60: {  	[hbm4b:s25+s18] =	stream.strided.scatter [tilespmem:s17], [sflag:$0x4], $0xC800, s19, s18, $0x38;
	[tilespmem:$0x19400] =	vst v63  }
0x61: {  	s29 =	sadd.s32 s2, s26  }
0x62: {  	[tilespmem:s5], [sflag:$0x1] =	stream.linear.gather [hbm4b:s29+s5], $0x190, $0x38;
	[tilespmem:$0x19400] =	vst v63  }
0x63: {  	s30 =	sadd.s32 s4, s26  }
0x64: {  	[tilespmem:s13], [sflag:$0x2] =	stream.linear.gather [hbm4b:s30+s5], $0x190, $0x38;
	[tilespmem:$0x19400] =	vst v63  }
0x65: {  	_ =	swait.ge [sflag:s14], $0x190  }
0x66: {  	[sflag:s14] =	ssyncset.done $0x0  }
0x67: {  	[sflag:s14] =	ssyncadd.s32 $0xFFFFFE70  }
0x68: {  	_ =	swait.ge [sflag:s15], $0x190  }
0x69: {  	[sflag:s15] =	ssyncset.done $0x0  }
0x6a: {  	[sflag:s15] =	ssyncadd.s32 $0xFFFFFE70  }
0x6b: {  	_ =	swait.ge [sflag:s20], $0xC800  }
0x6c: {  	[sflag:s20] =	ssyncset.done $0x0  }
0x6d: {  	[sflag:s20] =	ssyncadd.s32 $0xFFFF3800  }
0x6e: {  	_ =	swait.ge [sflag:s21], $0xC800  }
0x6f: {  	[sflag:s21] =	ssyncset.done $0x0  }
0x70: {  	[sflag:s21] =	ssyncadd.s32 $0xFFFF3800  }
0x71: {  	[tilespmem:s16], [sflag:$0x1] =	stream.indirect.gather [hbm4b:s1+s22], $0x80, s5, s22, $0xb8;
	[tilespmem:$0x19400] =	vst v63  }
0x72: {  	_ = 	snop  }
0x73: {  	[tilespmem:s17], [sflag:$0x2] =	stream.indirect.gather [hbm4b:s1+s22], $0x80, s13, s22, $0xb8;
	[tilespmem:$0x19400] =	vst v63  }
0x74: {  	_ =	swait.ge [sflag:s14], $0xC800  }
0x75: {  	[sflag:s14] =	ssyncset.done $0x0  }
0x76: {  	[sflag:s14] =	ssyncadd.s32 $0xFFFF3800  }
0x77: {  	_ =	swait.ge [sflag:s15], $0xC800  }
0x78: {  	s24 =	sadd.s32 $0x3200, s24;
	[sflag:s15] =	ssyncset.done $0x0  }
0x79: {  	s31 =	sadd.s32 $0xFFFFFF80, s24;
	[sflag:s15] =	ssyncadd.s32 $0xFFFF3800  }
0x7a: {  	[hbm4b:s31+s18] =	stream.strided.scatter [tilespmem:s16], [sflag:$0x3], $0xC800, s19, s18, $0x38;
	[tilespmem:$0x19400] =	vst v63  }
0x7b: {  	s23 =	sadd.s32 $0x1, s23  }
0x7c: {  	[hbm4b:s24+s18] =	stream.strided.scatter [tilespmem:s17], [sflag:$0x4], $0xC800, s19, s18, $0x38;
	[tilespmem:$0x19400] =	vst v63  }
0x7d: {  	p0 =	sne.s32 s23, s6;
	_ =	swait.ge [sflag:s20], $0xC800  }
.Ltmp1:
0x7e: {  	[sflag:s20] =	ssyncset.done $0x0;
	(pc) =	sbr.rel @p0 .LBB2_1-.Ltmp1, $4  }
0x7f: {  	[sflag:s20] =	ssyncadd.s32 $0xFFFF3800  }
0x80: {  	_ =	swait.ge [sflag:s21], $0xC800  }
0x81: {  	[sflag:s21] =	ssyncset.done $0x0  }
0x82: {  	[sflag:s21] =	ssyncadd.s32 $0xFFFF3800  }
0x83: {  	_ =	sfence.sel $0x180000  }
0x84: {  	[bflag:$0x0] =	sbarrier.arrive $0xFFFF  }
0x85: {  	p0 =	sne.s32 s0, $0x0;
	_ =	strace $0x90000047  }
0x86: {  	s0 =	sadd.s32 @!p0 $0x100000, s3;
	[bflag:$0x2] =	sbarrier.arrive $0xFFFF  }
0x87: {  	[sflag:s0] =	ssyncadd.tile.s32 @!p0 $0x1;
	_ =	shalt  }
.Lfunc_end2:
_tile_overlayer_lowered:
.L_overlay_start_2:
0x88: {  	(tag) =	ssettag $0x2  }
0x89: {  	s0 =	rddreg [dreg:$0x0];
	s2 =	stileid.u32  }
0x8a: {  	s1 =	rddreg [dreg:$0x1];
	p0 =	sne.s32 s2, $0x0  }
0x8b: {  	s3 =	rddreg [dreg:$0x2];
	[bflag:$0x3] =	sbarrier.arrive $0xFFFF;
	s2 =	simm.s32 @!p0 $0x1C05  }
0x8c: {  	[timem:s3], [sflag:s2] =	dma.local @!p0 [hbm:s0], s1  }
0x8d: {  	s0 =	simm.s32 @!p0 $0x5  }
0x8e: {  	_ =	swait.ge @!p0 [sflag:s0], s1  }
0x8f: {  	s1 =	ssub.s32 @!p0 $0x0, s1;
	[sflag:s0] =	ssyncset.done @!p0 $0x0  }
0x90: {  	[sflag:s0] =	ssyncadd.s32 @!p0 s1  }
0x91: {  	[bflag:$0x3] =	sbarrier.arrive $0xFFFF  }
0x92: {  	_ =	shalt  }

</sc_bundles>
